<compile_context>
chip_gen: v7x
topology: tpu7x:2x2x1
jax: 0.10.2.dev20260603
libtpu: 0.0.44.dev20260713+nightly
codegen_flags: <defaults>
</compile_context>

<pallas_src>
import functools

import jax
import jax.numpy as jnp
from jax import lax
from jax.experimental import pallas as pl
from jax.experimental.pallas import tpu as pltpu
from jax.experimental.pallas import tpu_sc as plsc

B = 16384
F = 26
DENSE = 13
V = 100000
H = 32
EMB_W = F * H
LOOKUPS = B * F

NC = 2
NS = 16
NW = NC * NS
CHUNK = 128
CPW = B // CHUNK // NW

BM = 1024
NB = B // BM



ROWS_W = B // NW
NL = 16


def _sc_gather(tables, idxp):
    mesh = plsc.VectorSubcoreMesh(core_axis_name="c", subcore_axis_name="s")

    @functools.partial(
        pl.kernel,
        mesh=mesh,
        compiler_params=pltpu.CompilerParams(
            use_tc_tiling_on_sc=False, needs_layout_passes=False),
        out_type=jax.ShapeDtypeStruct((B, EMB_W), jnp.float32),
        scratch_types=[
            pltpu.VMEM((ROWS_W, 128), jnp.int32),
            pltpu.VMEM((F, CPW, CHUNK), jnp.int32),
            pltpu.VMEM((CHUNK, H), jnp.float32),
            pltpu.VMEM((CHUNK, H), jnp.float32),
            pltpu.VMEM((CHUNK, H), jnp.float32),
            pltpu.VMEM((CHUNK, H), jnp.float32),
            pltpu.SemaphoreType.DMA,
            pltpu.SemaphoreType.DMA,
            pltpu.SemaphoreType.DMA,
            pltpu.SemaphoreType.DMA,
        ],
    )
    def k(tab_hbm, x_hbm, out_hbm, xv, idx_v,
          rows_a, rows_b, rows_c, rows_d, sem_a, sem_b, sem_c, sem_d):
        wid = lax.axis_index("s") * NC + lax.axis_index("c")
        b0 = wid * ROWS_W
        pltpu.sync_copy(x_hbm.at[pl.ds(b0, ROWS_W)], xv)

        lane = lax.iota(jnp.int32, NL)

        def build(t, carry):
            f = t // (ROWS_W // NL)
            g = t % (ROWS_W // NL)
            ids = plsc.load_gather(
                xv, [g * NL + lane, jnp.full((NL,), f, jnp.int32)])
            idx_v[f, g // (CHUNK // NL),
                  pl.ds((g % (CHUNK // NL)) * NL, NL)] = ids
            return carry

        lax.fori_loop(0, F * (ROWS_W // NL), build, 0)

        NT = F * CPW

        def start(t, rows, sem):
            f = t // CPW
            j = t % CPW
            pltpu.async_copy(tab_hbm.at[f].at[idx_v.at[f, j]], rows, sem)

        def drain(rows, sem):
            pltpu.make_async_copy(
                tab_hbm.at[0].at[idx_v.at[0, 0]], rows, sem).wait()

        def store(t, rows):
            f = t // CPW
            j = t % CPW
            pltpu.sync_copy(
                rows,
                out_hbm.at[pl.ds(b0 + j * CHUNK, CHUNK), pl.ds(f * H, H)])

        bufs = ((rows_a, sem_a), (rows_b, sem_b),
                (rows_c, sem_c), (rows_d, sem_d))
        for i in range(4):
            start(i, *bufs[i])

        def quad(p, carry):
            base = 4 * p
            for i in range(4):
                t = base + i
                rows, sem = bufs[i]
                drain(rows, sem)
                store(t, rows)

                @pl.when(t + 4 < NT)
                def _(t=t, rows=rows, sem=sem):
                    start(t + 4, rows, sem)

            return carry

        lax.fori_loop(0, NT // 4, quad, 0)

    return k(tables, idxp)



def _mlp1_body(emb_ref, xd_ref, w1e_ref, w1d_ref, z_ref, stats_ref):
    j = pl.program_id(0)
    z = jnp.dot(emb_ref[...], w1e_ref[...], preferred_element_type=jnp.float32)
    z = z + jnp.dot(xd_ref[...], w1d_ref[...], preferred_element_type=jnp.float32)
    z_ref[...] = z
    s1 = jnp.sum(z, axis=0, keepdims=True)
    s2 = jnp.sum(z * z, axis=0, keepdims=True)

    @pl.when(j == 0)
    def _():
        stats_ref[...] = jnp.zeros_like(stats_ref)

    stats_ref[...] += jnp.concatenate(
        [s1, s2, jnp.zeros((6, 128), jnp.float32)], axis=0)


def _mlp1(emb, xdp, w1e, w1dp):
    return pl.pallas_call(
        _mlp1_body,
        grid=(NB,),
        in_specs=[
            pl.BlockSpec((BM, EMB_W), lambda j: (j, 0)),
            pl.BlockSpec((BM, 16), lambda j: (j, 0)),
            pl.BlockSpec((EMB_W, 128), lambda j: (0, 0)),
            pl.BlockSpec((16, 128), lambda j: (0, 0)),
        ],
        out_specs=[
            pl.BlockSpec((BM, 128), lambda j: (j, 0)),
            pl.BlockSpec((8, 128), lambda j: (0, 0)),
        ],
        out_shape=[
            jax.ShapeDtypeStruct((B, 128), jnp.float32),
            jax.ShapeDtypeStruct((8, 128), jnp.float32),
        ],
    )(emb, xdp, w1e, w1dp)



def _mlp2_body(z_ref, stats_ref, gb_ref, w2_ref, b2_ref, out_ref):
    stats = stats_ref[...]
    mean = stats[0:1] / B
    var = stats[1:2] / B - mean * mean
    scale = gb_ref[0:1] * lax.rsqrt(var + 1e-5)
    shift = gb_ref[1:2] - mean * scale
    a = jnp.maximum(z_ref[...] * scale + shift, 0.0)
    o = jnp.sum(a * w2_ref[...], axis=1, keepdims=True) + b2_ref[...]
    out_ref[...] = jax.nn.sigmoid(o)


def _mlp2(z, stats, gb, w2row, b2):
    return pl.pallas_call(
        _mlp2_body,
        grid=(NB,),
        in_specs=[
            pl.BlockSpec((BM, 128), lambda j: (j, 0)),
            pl.BlockSpec((8, 128), lambda j: (0, 0)),
            pl.BlockSpec((2, 128), lambda j: (0, 0)),
            pl.BlockSpec((1, 128), lambda j: (0, 0)),
            pl.BlockSpec((1, 1), lambda j: (0, 0)),
        ],
        out_specs=pl.BlockSpec((BM, 1), lambda j: (j, 0)),
        out_shape=jax.ShapeDtypeStruct((B, 1), jnp.float32),
    )(z, stats, gb, w2row, b2)


def kernel(x, tables, W1, gamma, beta, W2, b2):
    idxp = jnp.pad(x[:, :F].astype(jnp.int32), ((0, 0), (0, 128 - F)))
    emb = _sc_gather(tables, idxp)

    xdp = jnp.pad(x[:, F:], ((0, 0), (0, 16 - DENSE)))
    w1e = W1[:EMB_W]
    w1dp = jnp.pad(W1[EMB_W:], ((0, 16 - DENSE), (0, 0)))
    z, stats = _mlp1(emb, xdp, w1e, w1dp)

    gb = jnp.stack([gamma, beta], axis=0)
    w2row = W2.reshape(1, 128)
    b2m = b2.reshape(1, 1)
    return _mlp2(z, stats, gb, w2row, b2m)

# --- scband reference (transcript-rebuilt; emitter-appended) ---
"""Pipeline reference for scband-structured-75788992905896 (READ-ONLY COPY).

The authoritative reference and input builder live on the scoring server;
editing this copy changes nothing except your own understanding.
"""

import jax, jax.numpy as jnp
import numpy as np

B = 16384
F = 26          # number of categorical (embedding) fields
DENSE = 13      # input_width - F
V = 100000      # vocab per field
H = 32          # hs (embedding dim)
WIDTH = F * H + DENSE  # 845

def setup_inputs(seed: int = 0):
    key = jax.random.key(seed)
    ks = jax.random.split(key, 8)
    # x: first F columns are integer category ids stored as float, rest are dense feats
    x = jax.random.randint(ks[0], (B, F + DENSE), 0, V).astype(jnp.float32)
    tables = jax.random.normal(ks[1], (F, V, H), dtype=jnp.float32)
    W1 = jax.random.normal(ks[2], (WIDTH, 128), dtype=jnp.float32) * (1.0 / np.sqrt(WIDTH))
    gamma = jnp.ones((128,), dtype=jnp.float32)
    beta = jnp.zeros((128,), dtype=jnp.float32)
    W2 = jax.random.normal(ks[3], (128, 1), dtype=jnp.float32) * (1.0 / np.sqrt(128))
    b2 = jnp.zeros((1,), dtype=jnp.float32)
    return {"x": x, "tables": tables, "W1": W1, "gamma": gamma, "beta": beta, "W2": W2, "b2": b2}

def reference(x, tables, W1, gamma, beta, W2, b2):
    idx = x[:, :F].astype(jnp.int32)                       # [B, F]
    emb = tables[jnp.arange(F)[None, :], idx]              # gather -> [B, F, H]
    embx = emb.reshape(B, F * H)                           # torch.cat of per-field embeddings
    h = jnp.concatenate([embx, x[:, F:]], axis=1)          # [B, WIDTH]
    z = h @ W1                                             # Linear(WIDTH,128,bias=False)
    mean = jnp.mean(z, axis=0)
    var = jnp.var(z, axis=0)
    zn = (z - mean) / jnp.sqrt(var + 1e-5) * gamma + beta  # BatchNorm1d (training-mode batch stats)
    a = jax.nn.relu(zn)
    # Dropout(0.2) treated as identity (eval/deterministic)
    out = jax.nn.sigmoid(a @ W2 + b2)                      # [B, 1]
    return out

if __name__ == "__main__":
    import jax
    _d = setup_inputs()
    print(jax.jit(kernel)(*tuple(_d.values())))

</pallas_src>

<mosaic_0001>
#map = affine_map<(d0, d1) -> (0, 0, 0)>
#map1 = affine_map<(d0, d1) -> (0, 0)>
module attributes {stable_mosaic.version = 14 : i64} {
  func.func @k(%arg0: i32, %arg1: i32, %arg2: memref<26x100000x32xf32, #tpu.memory_space<hbm>>, %arg3: memref<16384x128xi32, #tpu.memory_space<hbm>>, %arg4: memref<16384x832xf32, #tpu.memory_space<hbm>>, %arg5: memref<512x128xi32, #tpu.memory_space<vmem>>, %arg6: memref<26x4x128xi32, #tpu.memory_space<vmem>>, %arg7: memref<128x32xf32, #tpu.memory_space<vmem>>, %arg8: memref<128x32xf32, #tpu.memory_space<vmem>>, %arg9: memref<128x32xf32, #tpu.memory_space<vmem>>, %arg10: memref<128x32xf32, #tpu.memory_space<vmem>>, %arg11: memref<!tpu.dma_semaphore, #tpu.memory_space<semaphore_mem>>, %arg12: memref<!tpu.dma_semaphore, #tpu.memory_space<semaphore_mem>>, %arg13: memref<!tpu.dma_semaphore, #tpu.memory_space<semaphore_mem>>, %arg14: memref<!tpu.dma_semaphore, #tpu.memory_space<semaphore_mem>>) attributes {dimension_semantics = [#tpu.dimension_semantics<core_parallel>, #tpu.dimension_semantics<subcore_parallel>], iteration_bounds = array<i64: 2, 16>, scalar_prefetch = 0 : i64, scratch_operands = 10 : i64, tpu.core_type = #tpu.core_type<sc_vector_subcore>, window_params = [{transform_indices = #map}, {transform_indices = #map1}, {transform_indices = #map1}]} {
    %mul3A = arith.constant 2 : i32
    %mul3A_0 = arith.muli %arg1, %mul3A : i32
    %add3A = arith.addi %mul3A_0, %arg0 : i32
    %mul3A_1 = arith.constant 512 : i32
    %mul3A_2 = arith.muli %add3A, %mul3A_1 : i32
    "tpu.region"() ({
      %run_scoped3A = tpu.sem_alloc : memref<!tpu.dma_semaphore, #tpu.memory_space<semaphore_mem>>
      %dma_start3A_65 = arith.constant 0 : i32
      %dma_start3A_66 = tpu.memref_slice %arg3[%mul3A_2, %dma_start3A_65] : memref<16384x128xi32, #tpu.memory_space<hbm>> -> memref<512x128xi32, #tpu.memory_space<hbm>>
      %dma_start3A_67 = arith.constant 0 : i32
      %dma_start3A_68 = tpu.memref_slice %arg3[%mul3A_2, %dma_start3A_67] : memref<16384x128xi32, #tpu.memory_space<hbm>> -> memref<512x128xi32, #tpu.memory_space<hbm>>
      tpu.enqueue_dma source(%dma_start3A_68 : memref<512x128xi32, #tpu.memory_space<hbm>>) target(%arg5 : memref<512x128xi32, #tpu.memory_space<vmem>>) target_semaphore(%run_scoped3A : memref<!tpu.dma_semaphore, #tpu.memory_space<semaphore_mem>>)
      %dma_wait3A = arith.constant 0 : i32
      %dma_wait3A_69 = tpu.memref_slice %arg3[%mul3A_2, %dma_wait3A] : memref<16384x128xi32, #tpu.memory_space<hbm>> -> memref<512x128xi32, #tpu.memory_space<hbm>>
      %dma_wait3A_70 = arith.constant 0 : i32
      %dma_wait3A_71 = tpu.memref_slice %arg3[%mul3A_2, %dma_wait3A_70] : memref<16384x128xi32, #tpu.memory_space<hbm>> -> memref<512x128xi32, #tpu.memory_space<hbm>>
      tpu.wait_dma2 semaphore(%run_scoped3A : memref<!tpu.dma_semaphore, #tpu.memory_space<semaphore_mem>>) src(%dma_wait3A_71 : memref<512x128xi32, #tpu.memory_space<hbm>>) dst(%arg5 : memref<512x128xi32, #tpu.memory_space<vmem>>)
      tpu.yield
    }) : () -> ()
    %iota3A = tpu.iota {dimensions = array<i32: 0>} : vector<16xi32>
    %scan3A = arith.constant 0 : i32
    %scan3A_3 = arith.constant 0 : i32
    %scan3A_4 = arith.constant 832 : i32
    %scan3A_5 = arith.addi %scan3A_3, %scan3A_4 : i32
    %scan3A_6 = arith.constant 1 : i32
    scf.for %scan3A_65 = %scan3A_3 to %scan3A_5 step %scan3A_6  : i32 {
      %jit3A = arith.constant 32 : i32
      %div3A = arith.divsi %scan3A_65, %jit3A : i32
      %sign3A = arith.constant 0 : i32
      %sign3A_66 = arith.cmpi sgt, %scan3A_65, %sign3A : i32
      %sign3A_67 = arith.extui %sign3A_66 : i1 to i32
      %sign3A_68 = arith.constant 0 : i32
      %sign3A_69 = arith.cmpi slt, %scan3A_65, %sign3A_68 : i32
      %sign3A_70 = arith.extui %sign3A_69 : i1 to i32
      %sign3A_71 = arith.subi %sign3A_67, %sign3A_70 : i32
      %sign3A_72 = arith.constant 0 : i32
      %sign3A_73 = arith.cmpi sgt, %jit3A, %sign3A_72 : i32
      %sign3A_74 = arith.extui %sign3A_73 : i1 to i32
      %sign3A_75 = arith.constant 0 : i32
      %sign3A_76 = arith.cmpi slt, %jit3A, %sign3A_75 : i32
      %sign3A_77 = arith.extui %sign3A_76 : i1 to i32
      %sign3A_78 = arith.subi %sign3A_74, %sign3A_77 : i32
      %ne3A = arith.cmpi ne, %sign3A_71, %sign3A_78 : i32
      %rem3A = arith.remsi %scan3A_65, %jit3A : i32
      %ne3A_79 = arith.constant 0 : i32
      %ne3A_80 = arith.cmpi ne, %rem3A, %ne3A_79 : i32
      %and3A = arith.andi %ne3A, %ne3A_80 : i1
      %sub3A = arith.constant 1 : i32
      %sub3A_81 = arith.subi %div3A, %sub3A : i32
      %select_n3A = arith.select %and3A, %sub3A_81, %div3A : i32
      %jit3A_82 = arith.constant 32 : i32
      %eq3A = arith.constant 0 : i32
      %eq3A_83 = arith.cmpi eq, %jit3A_82, %eq3A : i32
      %jit3A_84 = arith.constant 1 : i32
      %select_n3A_85 = arith.select %eq3A_83, %jit3A_84, %jit3A_82 : i32
      %rem3A_86 = arith.remsi %scan3A_65, %select_n3A_85 : i32
      %ne3A_87 = arith.constant 0 : i32
      %ne3A_88 = arith.cmpi ne, %rem3A_86, %ne3A_87 : i32
      %lt3A = arith.constant 0 : i32
      %lt3A_89 = arith.cmpi slt, %rem3A_86, %lt3A : i32
      %lt3A_90 = arith.constant 0 : i32
      %lt3A_91 = arith.cmpi slt, %select_n3A_85, %lt3A_90 : i32
      %ne3A_92 = arith.xori %lt3A_89, %lt3A_91 : i1
      %and3A_93 = arith.andi %ne3A_92, %ne3A_88 : i1
      %add3A_94 = arith.addi %rem3A_86, %select_n3A_85 : i32
      %select_n3A_95 = arith.select %and3A_93, %add3A_94, %rem3A_86 : i32
      %mul3A_96 = arith.constant 16 : i32
      %mul3A_97 = arith.muli %select_n3A_95, %mul3A_96 : i32
      %add3A_98 = vector.broadcast %mul3A_97 : i32 to vector<16xi32>
      %add3A_99 = arith.addi %add3A_98, %iota3A : vector<16xi32>
      %broadcast_in_dim3A = vector.broadcast %select_n3A : i32 to vector<16xi32>
      %gather3A = tpu.vector_load_idx %arg5[%add3A_99, %broadcast_in_dim3A] : memref<512x128xi32, #tpu.memory_space<vmem>>[vector<16xi32>, vector<16xi32>], vector<16xi32>,
      %jit3A_100 = arith.constant 8 : i32
      %div3A_101 = arith.divsi %select_n3A_95, %jit3A_100 : i32
      %sign3A_102 = arith.constant 0 : i32
      %sign3A_103 = arith.cmpi sgt, %select_n3A_95, %sign3A_102 : i32
      %sign3A_104 = arith.extui %sign3A_103 : i1 to i32
      %sign3A_105 = arith.constant 0 : i32
      %sign3A_106 = arith.cmpi slt, %select_n3A_95, %sign3A_105 : i32
      %sign3A_107 = arith.extui %sign3A_106 : i1 to i32
      %sign3A_108 = arith.subi %sign3A_104, %sign3A_107 : i32
      %sign3A_109 = arith.constant 0 : i32
      %sign3A_110 = arith.cmpi sgt, %jit3A_100, %sign3A_109 : i32
      %sign3A_111 = arith.extui %sign3A_110 : i1 to i32
      %sign3A_112 = arith.constant 0 : i32
      %sign3A_113 = arith.cmpi slt, %jit3A_100, %sign3A_112 : i32
      %sign3A_114 = arith.extui %sign3A_113 : i1 to i32
      %sign3A_115 = arith.subi %sign3A_111, %sign3A_114 : i32
      %ne3A_116 = arith.cmpi ne, %sign3A_108, %sign3A_115 : i32
      %rem3A_117 = arith.remsi %select_n3A_95, %jit3A_100 : i32
      %ne3A_118 = arith.constant 0 : i32
      %ne3A_119 = arith.cmpi ne, %rem3A_117, %ne3A_118 : i32
      %and3A_120 = arith.andi %ne3A_116, %ne3A_119 : i1
      %sub3A_121 = arith.constant 1 : i32
      %sub3A_122 = arith.subi %div3A_101, %sub3A_121 : i32
      %select_n3A_123 = arith.select %and3A_120, %sub3A_122, %div3A_101 : i32
      %jit3A_124 = arith.constant 8 : i32
      %eq3A_125 = arith.constant 0 : i32
      %eq3A_126 = arith.cmpi eq, %jit3A_124, %eq3A_125 : i32
      %jit3A_127 = arith.constant 1 : i32
      %select_n3A_128 = arith.select %eq3A_126, %jit3A_127, %jit3A_124 : i32
      %rem3A_129 = arith.remsi %select_n3A_95, %select_n3A_128 : i32
      %ne3A_130 = arith.constant 0 : i32
      %ne3A_131 = arith.cmpi ne, %rem3A_129, %ne3A_130 : i32
      %lt3A_132 = arith.constant 0 : i32
      %lt3A_133 = arith.cmpi slt, %rem3A_129, %lt3A_132 : i32
      %lt3A_134 = arith.constant 0 : i32
      %lt3A_135 = arith.cmpi slt, %select_n3A_128, %lt3A_134 : i32
      %ne3A_136 = arith.xori %lt3A_133, %lt3A_135 : i1
      %and3A_137 = arith.andi %ne3A_136, %ne3A_131 : i1
      %add3A_138 = arith.addi %rem3A_129, %select_n3A_128 : i32
      %select_n3A_139 = arith.select %and3A_137, %add3A_138, %rem3A_129 : i32
      %mul3A_140 = arith.constant 16 : i32
      %mul3A_141 = arith.muli %select_n3A_139, %mul3A_140 : i32
      %swap3A = arith.index_cast %select_n3A : i32 to index
      %swap3A_142 = arith.index_cast %select_n3A_123 : i32 to index
      %swap3A_143 = arith.index_cast %mul3A_141 : i32 to index
      %swap3A_144 = tpu.vector_load %arg6[%swap3A, %swap3A_142, %swap3A_143] {strides = array<i32>} : memref<26x4x128xi32, #tpu.memory_space<vmem>>, vector<16xi32>,
      tpu.vector_store %arg6[%swap3A, %swap3A_142, %swap3A_143], %gather3A {strides = array<i32>} : memref<26x4x128xi32, #tpu.memory_space<vmem>>, vector<16xi32>,
    }
    %scan3A_7 = arith.constant 832 : i32
    %dma_start3A = arith.constant 0 : i32
    %dma_start3A_8 = arith.constant 0 : i32
    %dma_start3A_9 = arith.constant 0 : i32
    %dma_start3A_10 = arith.constant 0 : i32
    %dma_start3A_11 = tpu.memref_slice %arg6[%dma_start3A_8, %dma_start3A_9, %dma_start3A_10] : memref<26x4x128xi32, #tpu.memory_space<vmem>> -> memref<1x1x128xi32, #tpu.memory_space<vmem>>
    %dma_start3A_12 = tpu.memref_squeeze %dma_start3A_11 : memref<1x1x128xi32, #tpu.memory_space<vmem>> -> memref<128xi32, #tpu.memory_space<vmem>>
    %dma_start3A_13 = arith.constant 0 : i32
    %dma_start3A_14 = arith.constant 0 : i32
    %dma_start3A_15 = tpu.memref_slice %arg2[%dma_start3A, %dma_start3A_13, %dma_start3A_14] : memref<26x100000x32xf32, #tpu.memory_space<hbm>> -> memref<1x100000x32xf32, #tpu.memory_space<hbm>>
    %dma_start3A_16 = tpu.memref_squeeze %dma_start3A_15 : memref<1x100000x32xf32, #tpu.memory_space<hbm>> -> memref<100000x32xf32, #tpu.memory_space<hbm>>
    %dma_start3A_17 = arith.constant 0 : i32
    %dma_start3A_18 = arith.constant 0 : i32
    %dma_start3A_19 = tpu.memref_slice %dma_start3A_16[%dma_start3A_17, %dma_start3A_18] : memref<100000x32xf32, #tpu.memory_space<hbm>> -> memref<100000x32xf32, #tpu.memory_space<hbm>>
    tpu.enqueue_indirect_dma source(%dma_start3A_19 : memref<100000x32xf32, #tpu.memory_space<hbm>>) target(%arg7 : memref<128x32xf32, #tpu.memory_space<vmem>>) offsets(%dma_start3A_12 : memref<128xi32, #tpu.memory_space<vmem>>) semaphore(%arg11 : memref<!tpu.dma_semaphore, #tpu.memory_space<semaphore_mem>>)
    %dma_start3A_20 = arith.constant 0 : i32
    %dma_start3A_21 = arith.constant 0 : i32
    %dma_start3A_22 = arith.constant 1 : i32
    %dma_start3A_23 = arith.constant 0 : i32
    %dma_start3A_24 = tpu.memref_slice %arg6[%dma_start3A_21, %dma_start3A_22, %dma_start3A_23] : memref<26x4x128xi32, #tpu.memory_space<vmem>> -> memref<1x1x128xi32, #tpu.memory_space<vmem>>
    %dma_start3A_25 = tpu.memref_squeeze %dma_start3A_24 : memref<1x1x128xi32, #tpu.memory_space<vmem>> -> memref<128xi32, #tpu.memory_space<vmem>>
    %dma_start3A_26 = arith.constant 0 : i32
    %dma_start3A_27 = arith.constant 0 : i32
    %dma_start3A_28 = tpu.memref_slice %arg2[%dma_start3A_20, %dma_start3A_26, %dma_start3A_27] : memref<26x100000x32xf32, #tpu.memory_space<hbm>> -> memref<1x100000x32xf32, #tpu.memory_space<hbm>>
    %dma_start3A_29 = tpu.memref_squeeze %dma_start3A_28 : memref<1x100000x32xf32, #tpu.memory_space<hbm>> -> memref<100000x32xf32, #tpu.memory_space<hbm>>
    %dma_start3A_30 = arith.constant 0 : i32
    %dma_start3A_31 = arith.constant 0 : i32
    %dma_start3A_32 = tpu.memref_slice %dma_start3A_29[%dma_start3A_30, %dma_start3A_31] : memref<100000x32xf32, #tpu.memory_space<hbm>> -> memref<100000x32xf32, #tpu.memory_space<hbm>>
    tpu.enqueue_indirect_dma source(%dma_start3A_32 : memref<100000x32xf32, #tpu.memory_space<hbm>>) target(%arg8 : memref<128x32xf32, #tpu.memory_space<vmem>>) offsets(%dma_start3A_25 : memref<128xi32, #tpu.memory_space<vmem>>) semaphore(%arg12 : memref<!tpu.dma_semaphore, #tpu.memory_space<semaphore_mem>>)
    %dma_start3A_33 = arith.constant 0 : i32
    %dma_start3A_34 = arith.constant 0 : i32
    %dma_start3A_35 = arith.constant 2 : i32
    %dma_start3A_36 = arith.constant 0 : i32
    %dma_start3A_37 = tpu.memref_slice %arg6[%dma_start3A_34, %dma_start3A_35, %dma_start3A_36] : memref<26x4x128xi32, #tpu.memory_space<vmem>> -> memref<1x1x128xi32, #tpu.memory_space<vmem>>
    %dma_start3A_38 = tpu.memref_squeeze %dma_start3A_37 : memref<1x1x128xi32, #tpu.memory_space<vmem>> -> memref<128xi32, #tpu.memory_space<vmem>>
    %dma_start3A_39 = arith.constant 0 : i32
    %dma_start3A_40 = arith.constant 0 : i32
    %dma_start3A_41 = tpu.memref_slice %arg2[%dma_start3A_33, %dma_start3A_39, %dma_start3A_40] : memref<26x100000x32xf32, #tpu.memory_space<hbm>> -> memref<1x100000x32xf32, #tpu.memory_space<hbm>>
    %dma_start3A_42 = tpu.memref_squeeze %dma_start3A_41 : memref<1x100000x32xf32, #tpu.memory_space<hbm>> -> memref<100000x32xf32, #tpu.memory_space<hbm>>
    %dma_start3A_43 = arith.constant 0 : i32
    %dma_start3A_44 = arith.constant 0 : i32
    %dma_start3A_45 = tpu.memref_slice %dma_start3A_42[%dma_start3A_43, %dma_start3A_44] : memref<100000x32xf32, #tpu.memory_space<hbm>> -> memref<100000x32xf32, #tpu.memory_space<hbm>>
    tpu.enqueue_indirect_dma source(%dma_start3A_45 : memref<100000x32xf32, #tpu.memory_space<hbm>>) target(%arg9 : memref<128x32xf32, #tpu.memory_space<vmem>>) offsets(%dma_start3A_38 : memref<128xi32, #tpu.memory_space<vmem>>) semaphore(%arg13 : memref<!tpu.dma_semaphore, #tpu.memory_space<semaphore_mem>>)
    %dma_start3A_46 = arith.constant 0 : i32
    %dma_start3A_47 = arith.constant 0 : i32
    %dma_start3A_48 = arith.constant 3 : i32
    %dma_start3A_49 = arith.constant 0 : i32
    %dma_start3A_50 = tpu.memref_slice %arg6[%dma_start3A_47, %dma_start3A_48, %dma_start3A_49] : memref<26x4x128xi32, #tpu.memory_space<vmem>> -> memref<1x1x128xi32, #tpu.memory_space<vmem>>
    %dma_start3A_51 = tpu.memref_squeeze %dma_start3A_50 : memref<1x1x128xi32, #tpu.memory_space<vmem>> -> memref<128xi32, #tpu.memory_space<vmem>>
    %dma_start3A_52 = arith.constant 0 : i32
    %dma_start3A_53 = arith.constant 0 : i32
    %dma_start3A_54 = tpu.memref_slice %arg2[%dma_start3A_46, %dma_start3A_52, %dma_start3A_53] : memref<26x100000x32xf32, #tpu.memory_space<hbm>> -> memref<1x100000x32xf32, #tpu.memory_space<hbm>>
    %dma_start3A_55 = tpu.memref_squeeze %dma_start3A_54 : memref<1x100000x32xf32, #tpu.memory_space<hbm>> -> memref<100000x32xf32, #tpu.memory_space<hbm>>
    %dma_start3A_56 = arith.constant 0 : i32
    %dma_start3A_57 = arith.constant 0 : i32
    %dma_start3A_58 = tpu.memref_slice %dma_start3A_55[%dma_start3A_56, %dma_start3A_57] : memref<100000x32xf32, #tpu.memory_space<hbm>> -> memref<100000x32xf32, #tpu.memory_space<hbm>>
    tpu.enqueue_indirect_dma source(%dma_start3A_58 : memref<100000x32xf32, #tpu.memory_space<hbm>>) target(%arg10 : memref<128x32xf32, #tpu.memory_space<vmem>>) offsets(%dma_start3A_51 : memref<128xi32, #tpu.memory_space<vmem>>) semaphore(%arg14 : memref<!tpu.dma_semaphore, #tpu.memory_space<semaphore_mem>>)
    %scan3A_59 = arith.constant 0 : i32
    %scan3A_60 = arith.constant 0 : i32
    %scan3A_61 = arith.constant 26 : i32
    %scan3A_62 = arith.addi %scan3A_60, %scan3A_61 : i32
    %scan3A_63 = arith.constant 1 : i32
    scf.for %scan3A_65 = %scan3A_60 to %scan3A_62 step %scan3A_63  : i32 {
      %mul3A_66 = arith.constant 4 : i32
      %mul3A_67 = arith.muli %mul3A_66, %scan3A_65 : i32
      %add3A_68 = arith.constant 0 : i32
      %add3A_69 = arith.addi %mul3A_67, %add3A_68 : i32
      %dma_wait3A = arith.constant 0 : i32
      %dma_wait3A_70 = arith.constant 0 : i32
      %dma_wait3A_71 = arith.constant 0 : i32
      %dma_wait3A_72 = arith.constant 0 : i32
      %dma_wait3A_73 = tpu.memref_slice %arg6[%dma_wait3A_70, %dma_wait3A_71, %dma_wait3A_72] : memref<26x4x128xi32, #tpu.memory_space<vmem>> -> memref<1x1x128xi32, #tpu.memory_space<vmem>>
      %dma_wait3A_74 = tpu.memref_squeeze %dma_wait3A_73 : memref<1x1x128xi32, #tpu.memory_space<vmem>> -> memref<128xi32, #tpu.memory_space<vmem>>
      %dma_wait3A_75 = arith.constant 0 : i32
      %dma_wait3A_76 = arith.constant 0 : i32
      %dma_wait3A_77 = tpu.memref_slice %arg2[%dma_wait3A, %dma_wait3A_75, %dma_wait3A_76] : memref<26x100000x32xf32, #tpu.memory_space<hbm>> -> memref<1x100000x32xf32, #tpu.memory_space<hbm>>
      %dma_wait3A_78 = tpu.memref_squeeze %dma_wait3A_77 : memref<1x100000x32xf32, #tpu.memory_space<hbm>> -> memref<100000x32xf32, #tpu.memory_space<hbm>>
      %dma_wait3A_79 = arith.constant 0 : i32
      %dma_wait3A_80 = arith.constant 0 : i32
      %dma_wait3A_81 = tpu.memref_slice %dma_wait3A_78[%dma_wait3A_79, %dma_wait3A_80] : memref<100000x32xf32, #tpu.memory_space<hbm>> -> memref<100000x32xf32, #tpu.memory_space<hbm>>
      tpu.wait_indirect_dma semaphore(%arg11 : memref<!tpu.dma_semaphore, #tpu.memory_space<semaphore_mem>>) src(%dma_wait3A_81 : memref<100000x32xf32, #tpu.memory_space<hbm>>) dst(%arg7 : memref<128x32xf32, #tpu.memory_space<vmem>>)
      %jit3A = arith.constant 4 : i32
      %div3A = arith.divsi %add3A_69, %jit3A : i32
      %sign3A = arith.constant 0 : i32
      %sign3A_82 = arith.cmpi sgt, %add3A_69, %sign3A : i32
      %sign3A_83 = arith.extui %sign3A_82 : i1 to i32
      %sign3A_84 = arith.constant 0 : i32
      %sign3A_85 = arith.cmpi slt, %add3A_69, %sign3A_84 : i32
      %sign3A_86 = arith.extui %sign3A_85 : i1 to i32
      %sign3A_87 = arith.subi %sign3A_83, %sign3A_86 : i32
      %sign3A_88 = arith.constant 0 : i32
      %sign3A_89 = arith.cmpi sgt, %jit3A, %sign3A_88 : i32
      %sign3A_90 = arith.extui %sign3A_89 : i1 to i32
      %sign3A_91 = arith.constant 0 : i32
      %sign3A_92 = arith.cmpi slt, %jit3A, %sign3A_91 : i32
      %sign3A_93 = arith.extui %sign3A_92 : i1 to i32
      %sign3A_94 = arith.subi %sign3A_90, %sign3A_93 : i32
      %ne3A = arith.cmpi ne, %sign3A_87, %sign3A_94 : i32
      %rem3A = arith.remsi %add3A_69, %jit3A : i32
      %ne3A_95 = arith.constant 0 : i32
      %ne3A_96 = arith.cmpi ne, %rem3A, %ne3A_95 : i32
      %and3A = arith.andi %ne3A, %ne3A_96 : i1
      %sub3A = arith.constant 1 : i32
      %sub3A_97 = arith.subi %div3A, %sub3A : i32
      %select_n3A = arith.select %and3A, %sub3A_97, %div3A : i32
      %jit3A_98 = arith.constant 4 : i32
      %eq3A = arith.constant 0 : i32
      %eq3A_99 = arith.cmpi eq, %jit3A_98, %eq3A : i32
      %jit3A_100 = arith.constant 1 : i32
      %select_n3A_101 = arith.select %eq3A_99, %jit3A_100, %jit3A_98 : i32
      %rem3A_102 = arith.remsi %add3A_69, %select_n3A_101 : i32
      %ne3A_103 = arith.constant 0 : i32
      %ne3A_104 = arith.cmpi ne, %rem3A_102, %ne3A_103 : i32
      %lt3A = arith.constant 0 : i32
      %lt3A_105 = arith.cmpi slt, %rem3A_102, %lt3A : i32
      %lt3A_106 = arith.constant 0 : i32
      %lt3A_107 = arith.cmpi slt, %select_n3A_101, %lt3A_106 : i32
      %ne3A_108 = arith.xori %lt3A_105, %lt3A_107 : i1
      %and3A_109 = arith.andi %ne3A_108, %ne3A_104 : i1
      %add3A_110 = arith.addi %rem3A_102, %select_n3A_101 : i32
      %select_n3A_111 = arith.select %and3A_109, %add3A_110, %rem3A_102 : i32
      %mul3A_112 = arith.constant 128 : i32
      %mul3A_113 = arith.muli %select_n3A_111, %mul3A_112 : i32
      %add3A_114 = arith.addi %mul3A_2, %mul3A_113 : i32
      %mul3A_115 = arith.constant 32 : i32
      %mul3A_116 = arith.muli %select_n3A, %mul3A_115 : i32
      "tpu.region"() ({
        %run_scoped3A = tpu.sem_alloc : memref<!tpu.dma_semaphore, #tpu.memory_space<semaphore_mem>>
        %dma_start3A_323 = tpu.memref_slice %arg4[%add3A_114, %mul3A_116] : memref<16384x832xf32, #tpu.memory_space<hbm>> -> memref<128x32xf32, #tpu.memory_space<hbm>>
        %dma_start3A_324 = tpu.memref_slice %arg4[%add3A_114, %mul3A_116] : memref<16384x832xf32, #tpu.memory_space<hbm>> -> memref<128x32xf32, #tpu.memory_space<hbm>>
        tpu.enqueue_dma source(%arg7 : memref<128x32xf32, #tpu.memory_space<vmem>>) target(%dma_start3A_324 : memref<128x32xf32, #tpu.memory_space<hbm>>) target_semaphore(%run_scoped3A : memref<!tpu.dma_semaphore, #tpu.memory_space<semaphore_mem>>)
        %dma_wait3A_325 = tpu.memref_slice %arg4[%add3A_114, %mul3A_116] : memref<16384x832xf32, #tpu.memory_space<hbm>> -> memref<128x32xf32, #tpu.memory_space<hbm>>
        %dma_wait3A_326 = tpu.memref_slice %arg4[%add3A_114, %mul3A_116] : memref<16384x832xf32, #tpu.memory_space<hbm>> -> memref<128x32xf32, #tpu.memory_space<hbm>>
        tpu.wait_dma2 semaphore(%run_scoped3A : memref<!tpu.dma_semaphore, #tpu.memory_space<semaphore_mem>>) src(%arg7 : memref<128x32xf32, #tpu.memory_space<vmem>>) dst(%dma_wait3A_326 : memref<128x32xf32, #tpu.memory_space<hbm>>)
        tpu.yield
      }) : () -> ()
      %add3A_117 = arith.constant 4 : i32
      %add3A_118 = arith.addi %add3A_69, %add3A_117 : i32
      %lt3A_119 = arith.constant 104 : i32
      %lt3A_120 = arith.cmpi slt, %add3A_118, %lt3A_119 : i32
      %convert_element_type3A = arith.extui %lt3A_120 : i1 to i32
      %cond3A = arith.constant 0 : i32
      %cond3A_121 = arith.cmpi ne, %convert_element_type3A, %cond3A : i32
      scf.if %cond3A_121 {
        %add3A_323 = arith.constant 4 : i32
        %add3A_324 = arith.addi %add3A_69, %add3A_323 : i32
        %jit3A_325 = arith.constant 4 : i32
        %div3A_326 = arith.divsi %add3A_324, %jit3A_325 : i32
        %sign3A_327 = arith.constant 0 : i32
        %sign3A_328 = arith.cmpi sgt, %add3A_324, %sign3A_327 : i32
        %sign3A_329 = arith.extui %sign3A_328 : i1 to i32
        %sign3A_330 = arith.constant 0 : i32
        %sign3A_331 = arith.cmpi slt, %add3A_324, %sign3A_330 : i32
        %sign3A_332 = arith.extui %sign3A_331 : i1 to i32
        %sign3A_333 = arith.subi %sign3A_329, %sign3A_332 : i32
        %sign3A_334 = arith.constant 0 : i32
        %sign3A_335 = arith.cmpi sgt, %jit3A_325, %sign3A_334 : i32
        %sign3A_336 = arith.extui %sign3A_335 : i1 to i32
        %sign3A_337 = arith.constant 0 : i32
        %sign3A_338 = arith.cmpi slt, %jit3A_325, %sign3A_337 : i32
        %sign3A_339 = arith.extui %sign3A_338 : i1 to i32
        %sign3A_340 = arith.subi %sign3A_336, %sign3A_339 : i32
        %ne3A_341 = arith.cmpi ne, %sign3A_333, %sign3A_340 : i32
        %rem3A_342 = arith.remsi %add3A_324, %jit3A_325 : i32
        %ne3A_343 = arith.constant 0 : i32
        %ne3A_344 = arith.cmpi ne, %rem3A_342, %ne3A_343 : i32
        %and3A_345 = arith.andi %ne3A_341, %ne3A_344 : i1
        %sub3A_346 = arith.constant 1 : i32
        %sub3A_347 = arith.subi %div3A_326, %sub3A_346 : i32
        %select_n3A_348 = arith.select %and3A_345, %sub3A_347, %div3A_326 : i32
        %jit3A_349 = arith.constant 4 : i32
        %eq3A_350 = arith.constant 0 : i32
        %eq3A_351 = arith.cmpi eq, %jit3A_349, %eq3A_350 : i32
        %jit3A_352 = arith.constant 1 : i32
        %select_n3A_353 = arith.select %eq3A_351, %jit3A_352, %jit3A_349 : i32
        %rem3A_354 = arith.remsi %add3A_324, %select_n3A_353 : i32
        %ne3A_355 = arith.constant 0 : i32
        %ne3A_356 = arith.cmpi ne, %rem3A_354, %ne3A_355 : i32
        %lt3A_357 = arith.constant 0 : i32
        %lt3A_358 = arith.cmpi slt, %rem3A_354, %lt3A_357 : i32
        %lt3A_359 = arith.constant 0 : i32
        %lt3A_360 = arith.cmpi slt, %select_n3A_353, %lt3A_359 : i32
        %ne3A_361 = arith.xori %lt3A_358, %lt3A_360 : i1
        %and3A_362 = arith.andi %ne3A_361, %ne3A_356 : i1
        %add3A_363 = arith.addi %rem3A_354, %select_n3A_353 : i32
        %select_n3A_364 = arith.select %and3A_362, %add3A_363, %rem3A_354 : i32
        %dma_start3A_365 = arith.constant 0 : i32
        %dma_start3A_366 = tpu.memref_slice %arg6[%select_n3A_348, %select_n3A_364, %dma_start3A_365] : memref<26x4x128xi32, #tpu.memory_space<vmem>> -> memref<1x1x128xi32, #tpu.memory_space<vmem>>
        %dma_start3A_367 = tpu.memref_squeeze %dma_start3A_366 : memref<1x1x128xi32, #tpu.memory_space<vmem>> -> memref<128xi32, #tpu.memory_space<vmem>>
        %dma_start3A_368 = arith.constant 0 : i32
        %dma_start3A_369 = arith.constant 0 : i32
        %dma_start3A_370 = tpu.memref_slice %arg2[%select_n3A_348, %dma_start3A_368, %dma_start3A_369] : memref<26x100000x32xf32, #tpu.memory_space<hbm>> -> memref<1x100000x32xf32, #tpu.memory_space<hbm>>
        %dma_start3A_371 = tpu.memref_squeeze %dma_start3A_370 : memref<1x100000x32xf32, #tpu.memory_space<hbm>> -> memref<100000x32xf32, #tpu.memory_space<hbm>>
        %dma_start3A_372 = arith.constant 0 : i32
        %dma_start3A_373 = arith.constant 0 : i32
        %dma_start3A_374 = tpu.memref_slice %dma_start3A_371[%dma_start3A_372, %dma_start3A_373] : memref<100000x32xf32, #tpu.memory_space<hbm>> -> memref<100000x32xf32, #tpu.memory_space<hbm>>
        tpu.enqueue_indirect_dma source(%dma_start3A_374 : memref<100000x32xf32, #tpu.memory_space<hbm>>) target(%arg7 : memref<128x32xf32, #tpu.memory_space<vmem>>) offsets(%dma_start3A_367 : memref<128xi32, #tpu.memory_space<vmem>>) semaphore(%arg11 : memref<!tpu.dma_semaphore, #tpu.memory_space<semaphore_mem>>)
      } else {
      }
      %add3A_122 = arith.constant 1 : i32
      %add3A_123 = arith.addi %mul3A_67, %add3A_122 : i32
      %dma_wait3A_124 = arith.constant 0 : i32
      %dma_wait3A_125 = arith.constant 0 : i32
      %dma_wait3A_126 = arith.constant 0 : i32
      %dma_wait3A_127 = arith.constant 0 : i32
      %dma_wait3A_128 = tpu.memref_slice %arg6[%dma_wait3A_125, %dma_wait3A_126, %dma_wait3A_127] : memref<26x4x128xi32, #tpu.memory_space<vmem>> -> memref<1x1x128xi32, #tpu.memory_space<vmem>>
      %dma_wait3A_129 = tpu.memref_squeeze %dma_wait3A_128 : memref<1x1x128xi32, #tpu.memory_space<vmem>> -> memref<128xi32, #tpu.memory_space<vmem>>
      %dma_wait3A_130 = arith.constant 0 : i32
      %dma_wait3A_131 = arith.constant 0 : i32
      %dma_wait3A_132 = tpu.memref_slice %arg2[%dma_wait3A_124, %dma_wait3A_130, %dma_wait3A_131] : memref<26x100000x32xf32, #tpu.memory_space<hbm>> -> memref<1x100000x32xf32, #tpu.memory_space<hbm>>
      %dma_wait3A_133 = tpu.memref_squeeze %dma_wait3A_132 : memref<1x100000x32xf32, #tpu.memory_space<hbm>> -> memref<100000x32xf32, #tpu.memory_space<hbm>>
      %dma_wait3A_134 = arith.constant 0 : i32
      %dma_wait3A_135 = arith.constant 0 : i32
      %dma_wait3A_136 = tpu.memref_slice %dma_wait3A_133[%dma_wait3A_134, %dma_wait3A_135] : memref<100000x32xf32, #tpu.memory_space<hbm>> -> memref<100000x32xf32, #tpu.memory_space<hbm>>
      tpu.wait_indirect_dma semaphore(%arg12 : memref<!tpu.dma_semaphore, #tpu.memory_space<semaphore_mem>>) src(%dma_wait3A_136 : memref<100000x32xf32, #tpu.memory_space<hbm>>) dst(%arg8 : memref<128x32xf32, #tpu.memory_space<vmem>>)
      %jit3A_137 = arith.constant 4 : i32
      %div3A_138 = arith.divsi %add3A_123, %jit3A_137 : i32
      %sign3A_139 = arith.constant 0 : i32
      %sign3A_140 = arith.cmpi sgt, %add3A_123, %sign3A_139 : i32
      %sign3A_141 = arith.extui %sign3A_140 : i1 to i32
      %sign3A_142 = arith.constant 0 : i32
      %sign3A_143 = arith.cmpi slt, %add3A_123, %sign3A_142 : i32
      %sign3A_144 = arith.extui %sign3A_143 : i1 to i32
      %sign3A_145 = arith.subi %sign3A_141, %sign3A_144 : i32
      %sign3A_146 = arith.constant 0 : i32
      %sign3A_147 = arith.cmpi sgt, %jit3A_137, %sign3A_146 : i32
      %sign3A_148 = arith.extui %sign3A_147 : i1 to i32
      %sign3A_149 = arith.constant 0 : i32
      %sign3A_150 = arith.cmpi slt, %jit3A_137, %sign3A_149 : i32
      %sign3A_151 = arith.extui %sign3A_150 : i1 to i32
      %sign3A_152 = arith.subi %sign3A_148, %sign3A_151 : i32
      %ne3A_153 = arith.cmpi ne, %sign3A_145, %sign3A_152 : i32
      %rem3A_154 = arith.remsi %add3A_123, %jit3A_137 : i32
      %ne3A_155 = arith.constant 0 : i32
      %ne3A_156 = arith.cmpi ne, %rem3A_154, %ne3A_155 : i32
      %and3A_157 = arith.andi %ne3A_153, %ne3A_156 : i1
      %sub3A_158 = arith.constant 1 : i32
      %sub3A_159 = arith.subi %div3A_138, %sub3A_158 : i32
      %select_n3A_160 = arith.select %and3A_157, %sub3A_159, %div3A_138 : i32
      %jit3A_161 = arith.constant 4 : i32
      %eq3A_162 = arith.constant 0 : i32
      %eq3A_163 = arith.cmpi eq, %jit3A_161, %eq3A_162 : i32
      %jit3A_164 = arith.constant 1 : i32
      %select_n3A_165 = arith.select %eq3A_163, %jit3A_164, %jit3A_161 : i32
      %rem3A_166 = arith.remsi %add3A_123, %select_n3A_165 : i32
      %ne3A_167 = arith.constant 0 : i32
      %ne3A_168 = arith.cmpi ne, %rem3A_166, %ne3A_167 : i32
      %lt3A_169 = arith.constant 0 : i32
      %lt3A_170 = arith.cmpi slt, %rem3A_166, %lt3A_169 : i32
      %lt3A_171 = arith.constant 0 : i32
      %lt3A_172 = arith.cmpi slt, %select_n3A_165, %lt3A_171 : i32
      %ne3A_173 = arith.xori %lt3A_170, %lt3A_172 : i1
      %and3A_174 = arith.andi %ne3A_173, %ne3A_168 : i1
      %add3A_175 = arith.addi %rem3A_166, %select_n3A_165 : i32
      %select_n3A_176 = arith.select %and3A_174, %add3A_175, %rem3A_166 : i32
      %mul3A_177 = arith.constant 128 : i32
      %mul3A_178 = arith.muli %select_n3A_176, %mul3A_177 : i32
      %add3A_179 = arith.addi %mul3A_2, %mul3A_178 : i32
      %mul3A_180 = arith.constant 32 : i32
      %mul3A_181 = arith.muli %select_n3A_160, %mul3A_180 : i32
      "tpu.region"() ({
        %run_scoped3A = tpu.sem_alloc : memref<!tpu.dma_semaphore, #tpu.memory_space<semaphore_mem>>
        %dma_start3A_323 = tpu.memref_slice %arg4[%add3A_179, %mul3A_181] : memref<16384x832xf32, #tpu.memory_space<hbm>> -> memref<128x32xf32, #tpu.memory_space<hbm>>
        %dma_start3A_324 = tpu.memref_slice %arg4[%add3A_179, %mul3A_181] : memref<16384x832xf32, #tpu.memory_space<hbm>> -> memref<128x32xf32, #tpu.memory_space<hbm>>
        tpu.enqueue_dma source(%arg8 : memref<128x32xf32, #tpu.memory_space<vmem>>) target(%dma_start3A_324 : memref<128x32xf32, #tpu.memory_space<hbm>>) target_semaphore(%run_scoped3A : memref<!tpu.dma_semaphore, #tpu.memory_space<semaphore_mem>>)
        %dma_wait3A_325 = tpu.memref_slice %arg4[%add3A_179, %mul3A_181] : memref<16384x832xf32, #tpu.memory_space<hbm>> -> memref<128x32xf32, #tpu.memory_space<hbm>>
        %dma_wait3A_326 = tpu.memref_slice %arg4[%add3A_179, %mul3A_181] : memref<16384x832xf32, #tpu.memory_space<hbm>> -> memref<128x32xf32, #tpu.memory_space<hbm>>
        tpu.wait_dma2 semaphore(%run_scoped3A : memref<!tpu.dma_semaphore, #tpu.memory_space<semaphore_mem>>) src(%arg8 : memref<128x32xf32, #tpu.memory_space<vmem>>) dst(%dma_wait3A_326 : memref<128x32xf32, #tpu.memory_space<hbm>>)
        tpu.yield
      }) : () -> ()
      %add3A_182 = arith.constant 4 : i32
      %add3A_183 = arith.addi %add3A_123, %add3A_182 : i32
      %lt3A_184 = arith.constant 104 : i32
      %lt3A_185 = arith.cmpi slt, %add3A_183, %lt3A_184 : i32
      %convert_element_type3A_186 = arith.extui %lt3A_185 : i1 to i32
      %cond3A_187 = arith.constant 0 : i32
      %cond3A_188 = arith.cmpi ne, %convert_element_type3A_186, %cond3A_187 : i32
      scf.if %cond3A_188 {
        %add3A_323 = arith.constant 4 : i32
        %add3A_324 = arith.addi %add3A_123, %add3A_323 : i32
        %jit3A_325 = arith.constant 4 : i32
        %div3A_326 = arith.divsi %add3A_324, %jit3A_325 : i32
        %sign3A_327 = arith.constant 0 : i32
        %sign3A_328 = arith.cmpi sgt, %add3A_324, %sign3A_327 : i32
        %sign3A_329 = arith.extui %sign3A_328 : i1 to i32
        %sign3A_330 = arith.constant 0 : i32
        %sign3A_331 = arith.cmpi slt, %add3A_324, %sign3A_330 : i32
        %sign3A_332 = arith.extui %sign3A_331 : i1 to i32
        %sign3A_333 = arith.subi %sign3A_329, %sign3A_332 : i32
        %sign3A_334 = arith.constant 0 : i32
        %sign3A_335 = arith.cmpi sgt, %jit3A_325, %sign3A_334 : i32
        %sign3A_336 = arith.extui %sign3A_335 : i1 to i32
        %sign3A_337 = arith.constant 0 : i32
        %sign3A_338 = arith.cmpi slt, %jit3A_325, %sign3A_337 : i32
        %sign3A_339 = arith.extui %sign3A_338 : i1 to i32
        %sign3A_340 = arith.subi %sign3A_336, %sign3A_339 : i32
        %ne3A_341 = arith.cmpi ne, %sign3A_333, %sign3A_340 : i32
        %rem3A_342 = arith.remsi %add3A_324, %jit3A_325 : i32
        %ne3A_343 = arith.constant 0 : i32
        %ne3A_344 = arith.cmpi ne, %rem3A_342, %ne3A_343 : i32
        %and3A_345 = arith.andi %ne3A_341, %ne3A_344 : i1
        %sub3A_346 = arith.constant 1 : i32
        %sub3A_347 = arith.subi %div3A_326, %sub3A_346 : i32
        %select_n3A_348 = arith.select %and3A_345, %sub3A_347, %div3A_326 : i32
        %jit3A_349 = arith.constant 4 : i32
        %eq3A_350 = arith.constant 0 : i32
        %eq3A_351 = arith.cmpi eq, %jit3A_349, %eq3A_350 : i32
        %jit3A_352 = arith.constant 1 : i32
        %select_n3A_353 = arith.select %eq3A_351, %jit3A_352, %jit3A_349 : i32
        %rem3A_354 = arith.remsi %add3A_324, %select_n3A_353 : i32
        %ne3A_355 = arith.constant 0 : i32
        %ne3A_356 = arith.cmpi ne, %rem3A_354, %ne3A_355 : i32
        %lt3A_357 = arith.constant 0 : i32
        %lt3A_358 = arith.cmpi slt, %rem3A_354, %lt3A_357 : i32
        %lt3A_359 = arith.constant 0 : i32
        %lt3A_360 = arith.cmpi slt, %select_n3A_353, %lt3A_359 : i32
        %ne3A_361 = arith.xori %lt3A_358, %lt3A_360 : i1
        %and3A_362 = arith.andi %ne3A_361, %ne3A_356 : i1
        %add3A_363 = arith.addi %rem3A_354, %select_n3A_353 : i32
        %select_n3A_364 = arith.select %and3A_362, %add3A_363, %rem3A_354 : i32
        %dma_start3A_365 = arith.constant 0 : i32
        %dma_start3A_366 = tpu.memref_slice %arg6[%select_n3A_348, %select_n3A_364, %dma_start3A_365] : memref<26x4x128xi32, #tpu.memory_space<vmem>> -> memref<1x1x128xi32, #tpu.memory_space<vmem>>
        %dma_start3A_367 = tpu.memref_squeeze %dma_start3A_366 : memref<1x1x128xi32, #tpu.memory_space<vmem>> -> memref<128xi32, #tpu.memory_space<vmem>>
        %dma_start3A_368 = arith.constant 0 : i32
        %dma_start3A_369 = arith.constant 0 : i32
        %dma_start3A_370 = tpu.memref_slice %arg2[%select_n3A_348, %dma_start3A_368, %dma_start3A_369] : memref<26x100000x32xf32, #tpu.memory_space<hbm>> -> memref<1x100000x32xf32, #tpu.memory_space<hbm>>
        %dma_start3A_371 = tpu.memref_squeeze %dma_start3A_370 : memref<1x100000x32xf32, #tpu.memory_space<hbm>> -> memref<100000x32xf32, #tpu.memory_space<hbm>>
        %dma_start3A_372 = arith.constant 0 : i32
        %dma_start3A_373 = arith.constant 0 : i32
        %dma_start3A_374 = tpu.memref_slice %dma_start3A_371[%dma_start3A_372, %dma_start3A_373] : memref<100000x32xf32, #tpu.memory_space<hbm>> -> memref<100000x32xf32, #tpu.memory_space<hbm>>
        tpu.enqueue_indirect_dma source(%dma_start3A_374 : memref<100000x32xf32, #tpu.memory_space<hbm>>) target(%arg8 : memref<128x32xf32, #tpu.memory_space<vmem>>) offsets(%dma_start3A_367 : memref<128xi32, #tpu.memory_space<vmem>>) semaphore(%arg12 : memref<!tpu.dma_semaphore, #tpu.memory_space<semaphore_mem>>)
      } else {
      }
      %add3A_189 = arith.constant 2 : i32
      %add3A_190 = arith.addi %mul3A_67, %add3A_189 : i32
      %dma_wait3A_191 = arith.constant 0 : i32
      %dma_wait3A_192 = arith.constant 0 : i32
      %dma_wait3A_193 = arith.constant 0 : i32
      %dma_wait3A_194 = arith.constant 0 : i32
      %dma_wait3A_195 = tpu.memref_slice %arg6[%dma_wait3A_192, %dma_wait3A_193, %dma_wait3A_194] : memref<26x4x128xi32, #tpu.memory_space<vmem>> -> memref<1x1x128xi32, #tpu.memory_space<vmem>>
      %dma_wait3A_196 = tpu.memref_squeeze %dma_wait3A_195 : memref<1x1x128xi32, #tpu.memory_space<vmem>> -> memref<128xi32, #tpu.memory_space<vmem>>
      %dma_wait3A_197 = arith.constant 0 : i32
      %dma_wait3A_198 = arith.constant 0 : i32
      %dma_wait3A_199 = tpu.memref_slice %arg2[%dma_wait3A_191, %dma_wait3A_197, %dma_wait3A_198] : memref<26x100000x32xf32, #tpu.memory_space<hbm>> -> memref<1x100000x32xf32, #tpu.memory_space<hbm>>
      %dma_wait3A_200 = tpu.memref_squeeze %dma_wait3A_199 : memref<1x100000x32xf32, #tpu.memory_space<hbm>> -> memref<100000x32xf32, #tpu.memory_space<hbm>>
      %dma_wait3A_201 = arith.constant 0 : i32
      %dma_wait3A_202 = arith.constant 0 : i32
      %dma_wait3A_203 = tpu.memref_slice %dma_wait3A_200[%dma_wait3A_201, %dma_wait3A_202] : memref<100000x32xf32, #tpu.memory_space<hbm>> -> memref<100000x32xf32, #tpu.memory_space<hbm>>
      tpu.wait_indirect_dma semaphore(%arg13 : memref<!tpu.dma_semaphore, #tpu.memory_space<semaphore_mem>>) src(%dma_wait3A_203 : memref<100000x32xf32, #tpu.memory_space<hbm>>) dst(%arg9 : memref<128x32xf32, #tpu.memory_space<vmem>>)
      %jit3A_204 = arith.constant 4 : i32
      %div3A_205 = arith.divsi %add3A_190, %jit3A_204 : i32
      %sign3A_206 = arith.constant 0 : i32
      %sign3A_207 = arith.cmpi sgt, %add3A_190, %sign3A_206 : i32
      %sign3A_208 = arith.extui %sign3A_207 : i1 to i32
      %sign3A_209 = arith.constant 0 : i32
      %sign3A_210 = arith.cmpi slt, %add3A_190, %sign3A_209 : i32
      %sign3A_211 = arith.extui %sign3A_210 : i1 to i32
      %sign3A_212 = arith.subi %sign3A_208, %sign3A_211 : i32
      %sign3A_213 = arith.constant 0 : i32
      %sign3A_214 = arith.cmpi sgt, %jit3A_204, %sign3A_213 : i32
      %sign3A_215 = arith.extui %sign3A_214 : i1 to i32
      %sign3A_216 = arith.constant 0 : i32
      %sign3A_217 = arith.cmpi slt, %jit3A_204, %sign3A_216 : i32
      %sign3A_218 = arith.extui %sign3A_217 : i1 to i32
      %sign3A_219 = arith.subi %sign3A_215, %sign3A_218 : i32
      %ne3A_220 = arith.cmpi ne, %sign3A_212, %sign3A_219 : i32
      %rem3A_221 = arith.remsi %add3A_190, %jit3A_204 : i32
      %ne3A_222 = arith.constant 0 : i32
      %ne3A_223 = arith.cmpi ne, %rem3A_221, %ne3A_222 : i32
      %and3A_224 = arith.andi %ne3A_220, %ne3A_223 : i1
      %sub3A_225 = arith.constant 1 : i32
      %sub3A_226 = arith.subi %div3A_205, %sub3A_225 : i32
      %select_n3A_227 = arith.select %and3A_224, %sub3A_226, %div3A_205 : i32
      %jit3A_228 = arith.constant 4 : i32
      %eq3A_229 = arith.constant 0 : i32
      %eq3A_230 = arith.cmpi eq, %jit3A_228, %eq3A_229 : i32
      %jit3A_231 = arith.constant 1 : i32
      %select_n3A_232 = arith.select %eq3A_230, %jit3A_231, %jit3A_228 : i32
      %rem3A_233 = arith.remsi %add3A_190, %select_n3A_232 : i32
      %ne3A_234 = arith.constant 0 : i32
      %ne3A_235 = arith.cmpi ne, %rem3A_233, %ne3A_234 : i32
      %lt3A_236 = arith.constant 0 : i32
      %lt3A_237 = arith.cmpi slt, %rem3A_233, %lt3A_236 : i32
      %lt3A_238 = arith.constant 0 : i32
      %lt3A_239 = arith.cmpi slt, %select_n3A_232, %lt3A_238 : i32
      %ne3A_240 = arith.xori %lt3A_237, %lt3A_239 : i1
      %and3A_241 = arith.andi %ne3A_240, %ne3A_235 : i1
      %add3A_242 = arith.addi %rem3A_233, %select_n3A_232 : i32
      %select_n3A_243 = arith.select %and3A_241, %add3A_242, %rem3A_233 : i32
      %mul3A_244 = arith.constant 128 : i32
      %mul3A_245 = arith.muli %select_n3A_243, %mul3A_244 : i32
      %add3A_246 = arith.addi %mul3A_2, %mul3A_245 : i32
      %mul3A_247 = arith.constant 32 : i32
      %mul3A_248 = arith.muli %select_n3A_227, %mul3A_247 : i32
      "tpu.region"() ({
        %run_scoped3A = tpu.sem_alloc : memref<!tpu.dma_semaphore, #tpu.memory_space<semaphore_mem>>
        %dma_start3A_323 = tpu.memref_slice %arg4[%add3A_246, %mul3A_248] : memref<16384x832xf32, #tpu.memory_space<hbm>> -> memref<128x32xf32, #tpu.memory_space<hbm>>
        %dma_start3A_324 = tpu.memref_slice %arg4[%add3A_246, %mul3A_248] : memref<16384x832xf32, #tpu.memory_space<hbm>> -> memref<128x32xf32, #tpu.memory_space<hbm>>
        tpu.enqueue_dma source(%arg9 : memref<128x32xf32, #tpu.memory_space<vmem>>) target(%dma_start3A_324 : memref<128x32xf32, #tpu.memory_space<hbm>>) target_semaphore(%run_scoped3A : memref<!tpu.dma_semaphore, #tpu.memory_space<semaphore_mem>>)
        %dma_wait3A_325 = tpu.memref_slice %arg4[%add3A_246, %mul3A_248] : memref<16384x832xf32, #tpu.memory_space<hbm>> -> memref<128x32xf32, #tpu.memory_space<hbm>>
        %dma_wait3A_326 = tpu.memref_slice %arg4[%add3A_246, %mul3A_248] : memref<16384x832xf32, #tpu.memory_space<hbm>> -> memref<128x32xf32, #tpu.memory_space<hbm>>
        tpu.wait_dma2 semaphore(%run_scoped3A : memref<!tpu.dma_semaphore, #tpu.memory_space<semaphore_mem>>) src(%arg9 : memref<128x32xf32, #tpu.memory_space<vmem>>) dst(%dma_wait3A_326 : memref<128x32xf32, #tpu.memory_space<hbm>>)
        tpu.yield
      }) : () -> ()
      %add3A_249 = arith.constant 4 : i32
      %add3A_250 = arith.addi %add3A_190, %add3A_249 : i32
      %lt3A_251 = arith.constant 104 : i32
      %lt3A_252 = arith.cmpi slt, %add3A_250, %lt3A_251 : i32
      %convert_element_type3A_253 = arith.extui %lt3A_252 : i1 to i32
      %cond3A_254 = arith.constant 0 : i32
      %cond3A_255 = arith.cmpi ne, %convert_element_type3A_253, %cond3A_254 : i32
      scf.if %cond3A_255 {
        %add3A_323 = arith.constant 4 : i32
        %add3A_324 = arith.addi %add3A_190, %add3A_323 : i32
        %jit3A_325 = arith.constant 4 : i32
        %div3A_326 = arith.divsi %add3A_324, %jit3A_325 : i32
        %sign3A_327 = arith.constant 0 : i32
        %sign3A_328 = arith.cmpi sgt, %add3A_324, %sign3A_327 : i32
        %sign3A_329 = arith.extui %sign3A_328 : i1 to i32
        %sign3A_330 = arith.constant 0 : i32
        %sign3A_331 = arith.cmpi slt, %add3A_324, %sign3A_330 : i32
        %sign3A_332 = arith.extui %sign3A_331 : i1 to i32
        %sign3A_333 = arith.subi %sign3A_329, %sign3A_332 : i32
        %sign3A_334 = arith.constant 0 : i32
        %sign3A_335 = arith.cmpi sgt, %jit3A_325, %sign3A_334 : i32
        %sign3A_336 = arith.extui %sign3A_335 : i1 to i32
        %sign3A_337 = arith.constant 0 : i32
        %sign3A_338 = arith.cmpi slt, %jit3A_325, %sign3A_337 : i32
        %sign3A_339 = arith.extui %sign3A_338 : i1 to i32
        %sign3A_340 = arith.subi %sign3A_336, %sign3A_339 : i32
        %ne3A_341 = arith.cmpi ne, %sign3A_333, %sign3A_340 : i32
        %rem3A_342 = arith.remsi %add3A_324, %jit3A_325 : i32
        %ne3A_343 = arith.constant 0 : i32
        %ne3A_344 = arith.cmpi ne, %rem3A_342, %ne3A_343 : i32
        %and3A_345 = arith.andi %ne3A_341, %ne3A_344 : i1
        %sub3A_346 = arith.constant 1 : i32
        %sub3A_347 = arith.subi %div3A_326, %sub3A_346 : i32
        %select_n3A_348 = arith.select %and3A_345, %sub3A_347, %div3A_326 : i32
        %jit3A_349 = arith.constant 4 : i32
        %eq3A_350 = arith.constant 0 : i32
        %eq3A_351 = arith.cmpi eq, %jit3A_349, %eq3A_350 : i32
        %jit3A_352 = arith.constant 1 : i32
        %select_n3A_353 = arith.select %eq3A_351, %jit3A_352, %jit3A_349 : i32
        %rem3A_354 = arith.remsi %add3A_324, %select_n3A_353 : i32
        %ne3A_355 = arith.constant 0 : i32
        %ne3A_356 = arith.cmpi ne, %rem3A_354, %ne3A_355 : i32
        %lt3A_357 = arith.constant 0 : i32
        %lt3A_358 = arith.cmpi slt, %rem3A_354, %lt3A_357 : i32
        %lt3A_359 = arith.constant 0 : i32
        %lt3A_360 = arith.cmpi slt, %select_n3A_353, %lt3A_359 : i32
        %ne3A_361 = arith.xori %lt3A_358, %lt3A_360 : i1
        %and3A_362 = arith.andi %ne3A_361, %ne3A_356 : i1
        %add3A_363 = arith.addi %rem3A_354, %select_n3A_353 : i32
        %select_n3A_364 = arith.select %and3A_362, %add3A_363, %rem3A_354 : i32
        %dma_start3A_365 = arith.constant 0 : i32
        %dma_start3A_366 = tpu.memref_slice %arg6[%select_n3A_348, %select_n3A_364, %dma_start3A_365] : memref<26x4x128xi32, #tpu.memory_space<vmem>> -> memref<1x1x128xi32, #tpu.memory_space<vmem>>
        %dma_start3A_367 = tpu.memref_squeeze %dma_start3A_366 : memref<1x1x128xi32, #tpu.memory_space<vmem>> -> memref<128xi32, #tpu.memory_space<vmem>>
        %dma_start3A_368 = arith.constant 0 : i32
        %dma_start3A_369 = arith.constant 0 : i32
        %dma_start3A_370 = tpu.memref_slice %arg2[%select_n3A_348, %dma_start3A_368, %dma_start3A_369] : memref<26x100000x32xf32, #tpu.memory_space<hbm>> -> memref<1x100000x32xf32, #tpu.memory_space<hbm>>
        %dma_start3A_371 = tpu.memref_squeeze %dma_start3A_370 : memref<1x100000x32xf32, #tpu.memory_space<hbm>> -> memref<100000x32xf32, #tpu.memory_space<hbm>>
        %dma_start3A_372 = arith.constant 0 : i32
        %dma_start3A_373 = arith.constant 0 : i32
        %dma_start3A_374 = tpu.memref_slice %dma_start3A_371[%dma_start3A_372, %dma_start3A_373] : memref<100000x32xf32, #tpu.memory_space<hbm>> -> memref<100000x32xf32, #tpu.memory_space<hbm>>
        tpu.enqueue_indirect_dma source(%dma_start3A_374 : memref<100000x32xf32, #tpu.memory_space<hbm>>) target(%arg9 : memref<128x32xf32, #tpu.memory_space<vmem>>) offsets(%dma_start3A_367 : memref<128xi32, #tpu.memory_space<vmem>>) semaphore(%arg13 : memref<!tpu.dma_semaphore, #tpu.memory_space<semaphore_mem>>)
      } else {
      }
      %add3A_256 = arith.constant 3 : i32
      %add3A_257 = arith.addi %mul3A_67, %add3A_256 : i32
      %dma_wait3A_258 = arith.constant 0 : i32
      %dma_wait3A_259 = arith.constant 0 : i32
      %dma_wait3A_260 = arith.constant 0 : i32
      %dma_wait3A_261 = arith.constant 0 : i32
      %dma_wait3A_262 = tpu.memref_slice %arg6[%dma_wait3A_259, %dma_wait3A_260, %dma_wait3A_261] : memref<26x4x128xi32, #tpu.memory_space<vmem>> -> memref<1x1x128xi32, #tpu.memory_space<vmem>>
      %dma_wait3A_263 = tpu.memref_squeeze %dma_wait3A_262 : memref<1x1x128xi32, #tpu.memory_space<vmem>> -> memref<128xi32, #tpu.memory_space<vmem>>
      %dma_wait3A_264 = arith.constant 0 : i32
      %dma_wait3A_265 = arith.constant 0 : i32
      %dma_wait3A_266 = tpu.memref_slice %arg2[%dma_wait3A_258, %dma_wait3A_264, %dma_wait3A_265] : memref<26x100000x32xf32, #tpu.memory_space<hbm>> -> memref<1x100000x32xf32, #tpu.memory_space<hbm>>
      %dma_wait3A_267 = tpu.memref_squeeze %dma_wait3A_266 : memref<1x100000x32xf32, #tpu.memory_space<hbm>> -> memref<100000x32xf32, #tpu.memory_space<hbm>>
      %dma_wait3A_268 = arith.constant 0 : i32
      %dma_wait3A_269 = arith.constant 0 : i32
      %dma_wait3A_270 = tpu.memref_slice %dma_wait3A_267[%dma_wait3A_268, %dma_wait3A_269] : memref<100000x32xf32, #tpu.memory_space<hbm>> -> memref<100000x32xf32, #tpu.memory_space<hbm>>
      tpu.wait_indirect_dma semaphore(%arg14 : memref<!tpu.dma_semaphore, #tpu.memory_space<semaphore_mem>>) src(%dma_wait3A_270 : memref<100000x32xf32, #tpu.memory_space<hbm>>) dst(%arg10 : memref<128x32xf32, #tpu.memory_space<vmem>>)
      %jit3A_271 = arith.constant 4 : i32
      %div3A_272 = arith.divsi %add3A_257, %jit3A_271 : i32
      %sign3A_273 = arith.constant 0 : i32
      %sign3A_274 = arith.cmpi sgt, %add3A_257, %sign3A_273 : i32
      %sign3A_275 = arith.extui %sign3A_274 : i1 to i32
      %sign3A_276 = arith.constant 0 : i32
      %sign3A_277 = arith.cmpi slt, %add3A_257, %sign3A_276 : i32
      %sign3A_278 = arith.extui %sign3A_277 : i1 to i32
      %sign3A_279 = arith.subi %sign3A_275, %sign3A_278 : i32
      %sign3A_280 = arith.constant 0 : i32
      %sign3A_281 = arith.cmpi sgt, %jit3A_271, %sign3A_280 : i32
      %sign3A_282 = arith.extui %sign3A_281 : i1 to i32
      %sign3A_283 = arith.constant 0 : i32
      %sign3A_284 = arith.cmpi slt, %jit3A_271, %sign3A_283 : i32
      %sign3A_285 = arith.extui %sign3A_284 : i1 to i32
      %sign3A_286 = arith.subi %sign3A_282, %sign3A_285 : i32
      %ne3A_287 = arith.cmpi ne, %sign3A_279, %sign3A_286 : i32
      %rem3A_288 = arith.remsi %add3A_257, %jit3A_271 : i32
      %ne3A_289 = arith.constant 0 : i32
      %ne3A_290 = arith.cmpi ne, %rem3A_288, %ne3A_289 : i32
      %and3A_291 = arith.andi %ne3A_287, %ne3A_290 : i1
      %sub3A_292 = arith.constant 1 : i32
      %sub3A_293 = arith.subi %div3A_272, %sub3A_292 : i32
      %select_n3A_294 = arith.select %and3A_291, %sub3A_293, %div3A_272 : i32
      %jit3A_295 = arith.constant 4 : i32
      %eq3A_296 = arith.constant 0 : i32
      %eq3A_297 = arith.cmpi eq, %jit3A_295, %eq3A_296 : i32
      %jit3A_298 = arith.constant 1 : i32
      %select_n3A_299 = arith.select %eq3A_297, %jit3A_298, %jit3A_295 : i32
      %rem3A_300 = arith.remsi %add3A_257, %select_n3A_299 : i32
      %ne3A_301 = arith.constant 0 : i32
      %ne3A_302 = arith.cmpi ne, %rem3A_300, %ne3A_301 : i32
      %lt3A_303 = arith.constant 0 : i32
      %lt3A_304 = arith.cmpi slt, %rem3A_300, %lt3A_303 : i32
      %lt3A_305 = arith.constant 0 : i32
      %lt3A_306 = arith.cmpi slt, %select_n3A_299, %lt3A_305 : i32
      %ne3A_307 = arith.xori %lt3A_304, %lt3A_306 : i1
      %and3A_308 = arith.andi %ne3A_307, %ne3A_302 : i1
      %add3A_309 = arith.addi %rem3A_300, %select_n3A_299 : i32
      %select_n3A_310 = arith.select %and3A_308, %add3A_309, %rem3A_300 : i32
      %mul3A_311 = arith.constant 128 : i32
      %mul3A_312 = arith.muli %select_n3A_310, %mul3A_311 : i32
      %add3A_313 = arith.addi %mul3A_2, %mul3A_312 : i32
      %mul3A_314 = arith.constant 32 : i32
      %mul3A_315 = arith.muli %select_n3A_294, %mul3A_314 : i32
      "tpu.region"() ({
        %run_scoped3A = tpu.sem_alloc : memref<!tpu.dma_semaphore, #tpu.memory_space<semaphore_mem>>
        %dma_start3A_323 = tpu.memref_slice %arg4[%add3A_313, %mul3A_315] : memref<16384x832xf32, #tpu.memory_space<hbm>> -> memref<128x32xf32, #tpu.memory_space<hbm>>
        %dma_start3A_324 = tpu.memref_slice %arg4[%add3A_313, %mul3A_315] : memref<16384x832xf32, #tpu.memory_space<hbm>> -> memref<128x32xf32, #tpu.memory_space<hbm>>
        tpu.enqueue_dma source(%arg10 : memref<128x32xf32, #tpu.memory_space<vmem>>) target(%dma_start3A_324 : memref<128x32xf32, #tpu.memory_space<hbm>>) target_semaphore(%run_scoped3A : memref<!tpu.dma_semaphore, #tpu.memory_space<semaphore_mem>>)
        %dma_wait3A_325 = tpu.memref_slice %arg4[%add3A_313, %mul3A_315] : memref<16384x832xf32, #tpu.memory_space<hbm>> -> memref<128x32xf32, #tpu.memory_space<hbm>>
        %dma_wait3A_326 = tpu.memref_slice %arg4[%add3A_313, %mul3A_315] : memref<16384x832xf32, #tpu.memory_space<hbm>> -> memref<128x32xf32, #tpu.memory_space<hbm>>
        tpu.wait_dma2 semaphore(%run_scoped3A : memref<!tpu.dma_semaphore, #tpu.memory_space<semaphore_mem>>) src(%arg10 : memref<128x32xf32, #tpu.memory_space<vmem>>) dst(%dma_wait3A_326 : memref<128x32xf32, #tpu.memory_space<hbm>>)
        tpu.yield
      }) : () -> ()
      %add3A_316 = arith.constant 4 : i32
      %add3A_317 = arith.addi %add3A_257, %add3A_316 : i32
      %lt3A_318 = arith.constant 104 : i32
      %lt3A_319 = arith.cmpi slt, %add3A_317, %lt3A_318 : i32
      %convert_element_type3A_320 = arith.extui %lt3A_319 : i1 to i32
      %cond3A_321 = arith.constant 0 : i32
      %cond3A_322 = arith.cmpi ne, %convert_element_type3A_320, %cond3A_321 : i32
      scf.if %cond3A_322 {
        %add3A_323 = arith.constant 4 : i32
        %add3A_324 = arith.addi %add3A_257, %add3A_323 : i32
        %jit3A_325 = arith.constant 4 : i32
        %div3A_326 = arith.divsi %add3A_324, %jit3A_325 : i32
        %sign3A_327 = arith.constant 0 : i32
        %sign3A_328 = arith.cmpi sgt, %add3A_324, %sign3A_327 : i32
        %sign3A_329 = arith.extui %sign3A_328 : i1 to i32
        %sign3A_330 = arith.constant 0 : i32
        %sign3A_331 = arith.cmpi slt, %add3A_324, %sign3A_330 : i32
        %sign3A_332 = arith.extui %sign3A_331 : i1 to i32
        %sign3A_333 = arith.subi %sign3A_329, %sign3A_332 : i32
        %sign3A_334 = arith.constant 0 : i32
        %sign3A_335 = arith.cmpi sgt, %jit3A_325, %sign3A_334 : i32
        %sign3A_336 = arith.extui %sign3A_335 : i1 to i32
        %sign3A_337 = arith.constant 0 : i32
        %sign3A_338 = arith.cmpi slt, %jit3A_325, %sign3A_337 : i32
        %sign3A_339 = arith.extui %sign3A_338 : i1 to i32
        %sign3A_340 = arith.subi %sign3A_336, %sign3A_339 : i32
        %ne3A_341 = arith.cmpi ne, %sign3A_333, %sign3A_340 : i32
        %rem3A_342 = arith.remsi %add3A_324, %jit3A_325 : i32
        %ne3A_343 = arith.constant 0 : i32
        %ne3A_344 = arith.cmpi ne, %rem3A_342, %ne3A_343 : i32
        %and3A_345 = arith.andi %ne3A_341, %ne3A_344 : i1
        %sub3A_346 = arith.constant 1 : i32
        %sub3A_347 = arith.subi %div3A_326, %sub3A_346 : i32
        %select_n3A_348 = arith.select %and3A_345, %sub3A_347, %div3A_326 : i32
        %jit3A_349 = arith.constant 4 : i32
        %eq3A_350 = arith.constant 0 : i32
        %eq3A_351 = arith.cmpi eq, %jit3A_349, %eq3A_350 : i32
        %jit3A_352 = arith.constant 1 : i32
        %select_n3A_353 = arith.select %eq3A_351, %jit3A_352, %jit3A_349 : i32
        %rem3A_354 = arith.remsi %add3A_324, %select_n3A_353 : i32
        %ne3A_355 = arith.constant 0 : i32
        %ne3A_356 = arith.cmpi ne, %rem3A_354, %ne3A_355 : i32
        %lt3A_357 = arith.constant 0 : i32
        %lt3A_358 = arith.cmpi slt, %rem3A_354, %lt3A_357 : i32
        %lt3A_359 = arith.constant 0 : i32
        %lt3A_360 = arith.cmpi slt, %select_n3A_353, %lt3A_359 : i32
        %ne3A_361 = arith.xori %lt3A_358, %lt3A_360 : i1
        %and3A_362 = arith.andi %ne3A_361, %ne3A_356 : i1
        %add3A_363 = arith.addi %rem3A_354, %select_n3A_353 : i32
        %select_n3A_364 = arith.select %and3A_362, %add3A_363, %rem3A_354 : i32
        %dma_start3A_365 = arith.constant 0 : i32
        %dma_start3A_366 = tpu.memref_slice %arg6[%select_n3A_348, %select_n3A_364, %dma_start3A_365] : memref<26x4x128xi32, #tpu.memory_space<vmem>> -> memref<1x1x128xi32, #tpu.memory_space<vmem>>
        %dma_start3A_367 = tpu.memref_squeeze %dma_start3A_366 : memref<1x1x128xi32, #tpu.memory_space<vmem>> -> memref<128xi32, #tpu.memory_space<vmem>>
        %dma_start3A_368 = arith.constant 0 : i32
        %dma_start3A_369 = arith.constant 0 : i32
        %dma_start3A_370 = tpu.memref_slice %arg2[%select_n3A_348, %dma_start3A_368, %dma_start3A_369] : memref<26x100000x32xf32, #tpu.memory_space<hbm>> -> memref<1x100000x32xf32, #tpu.memory_space<hbm>>
        %dma_start3A_371 = tpu.memref_squeeze %dma_start3A_370 : memref<1x100000x32xf32, #tpu.memory_space<hbm>> -> memref<100000x32xf32, #tpu.memory_space<hbm>>
        %dma_start3A_372 = arith.constant 0 : i32
        %dma_start3A_373 = arith.constant 0 : i32
        %dma_start3A_374 = tpu.memref_slice %dma_start3A_371[%dma_start3A_372, %dma_start3A_373] : memref<100000x32xf32, #tpu.memory_space<hbm>> -> memref<100000x32xf32, #tpu.memory_space<hbm>>
        tpu.enqueue_indirect_dma source(%dma_start3A_374 : memref<100000x32xf32, #tpu.memory_space<hbm>>) target(%arg10 : memref<128x32xf32, #tpu.memory_space<vmem>>) offsets(%dma_start3A_367 : memref<128xi32, #tpu.memory_space<vmem>>) semaphore(%arg14 : memref<!tpu.dma_semaphore, #tpu.memory_space<semaphore_mem>>)
      } else {
      }
    }
    %scan3A_64 = arith.constant 26 : i32
    return
  }
}

module attributes {stable_mosaic.version = 14 : i64} {
  func.func @_mlp1_body(%arg0: i32, %arg1: memref<1024x832xf32, #tpu.memory_space<vmem>>, %arg2: memref<1024x16xf32, #tpu.memory_space<vmem>>, %arg3: memref<832x128xf32, #tpu.memory_space<vmem>>, %arg4: memref<16x128xf32, #tpu.memory_space<vmem>>, %arg5: memref<1024x128xf32, #tpu.memory_space<vmem>>, %arg6: memref<8x128xf32, #tpu.memory_space<vmem>>) attributes {dimension_semantics = [#tpu.dimension_semantics<arbitrary>], iteration_bounds = array<i64: 16>, scalar_prefetch = 0 : i64, scratch_operands = 0 : i64, tpu.core_type = #tpu.core_type<tc>, window_params = [{transform_indices = @transform_0, window_bounds = array<i64: 1024, 832>}, {transform_indices = @transform_1, window_bounds = array<i64: 1024, 16>}, {pipeline_mode = #tpu.pipeline_mode<synchronous>, transform_indices = @transform_2, window_bounds = array<i64: 832, 128>}, {pipeline_mode = #tpu.pipeline_mode<synchronous>, transform_indices = @transform_3, window_bounds = array<i64: 16, 128>}, {transform_indices = @transform_4, window_bounds = array<i64: 1024, 128>}, {pipeline_mode = #tpu.pipeline_mode<synchronous>, transform_indices = @transform_5, window_bounds = array<i64: 8, 128>}]} {
    %get3A = arith.constant 0 : index
    %get3A_0 = arith.constant 0 : index
    %get3A_1 = vector.load %arg1[%get3A, %get3A_0] : memref<1024x832xf32, #tpu.memory_space<vmem>>, vector<1024x832xf32>
    %get3A_2 = arith.constant 0 : index
    %get3A_3 = arith.constant 0 : index
    %get3A_4 = vector.load %arg3[%get3A_2, %get3A_3] : memref<832x128xf32, #tpu.memory_space<vmem>>, vector<832x128xf32>
    %dot_general3A = arith.constant dense<0.000000e+00> : vector<1024x128xf32>
    %dot_general3A_5 = tpu.matmul %get3A_1, %get3A_4, %dot_general3A {dimension_numbers = #tpu.dot_dimension_numbers<[1], [0], [0], [1], [0, 0, 1, 1], [], []>, transpose_lhs_hint = false} : vector<1024x832xf32>, vector<832x128xf32>, vector<1024x128xf32> -> vector<1024x128xf32>
    %get3A_6 = arith.constant 0 : index
    %get3A_7 = arith.constant 0 : index
    %get3A_8 = vector.load %arg2[%get3A_6, %get3A_7] : memref<1024x16xf32, #tpu.memory_space<vmem>>, vector<1024x16xf32>
    %get3A_9 = arith.constant 0 : index
    %get3A_10 = arith.constant 0 : index
    %get3A_11 = vector.load %arg4[%get3A_9, %get3A_10] : memref<16x128xf32, #tpu.memory_space<vmem>>, vector<16x128xf32>
    %dot_general3A_12 = arith.constant dense<0.000000e+00> : vector<1024x128xf32>
    %dot_general3A_13 = tpu.matmul %get3A_8, %get3A_11, %dot_general3A_12 {dimension_numbers = #tpu.dot_dimension_numbers<[1], [0], [0], [1], [0, 0, 1, 1], [], []>, transpose_lhs_hint = false} : vector<1024x16xf32>, vector<16x128xf32>, vector<1024x128xf32> -> vector<1024x128xf32>
    %add3A = arith.addf %dot_general3A_5, %dot_general3A_13 : vector<1024x128xf32>
    %swap3A = arith.constant 0 : index
    %swap3A_14 = arith.constant 0 : index
    %swap3A_15 = vector.load %arg5[%swap3A, %swap3A_14] : memref<1024x128xf32, #tpu.memory_space<vmem>>, vector<1024x128xf32>
    tpu.vector_store %arg5[%swap3A, %swap3A_14], %add3A {strides = array<i32>} : memref<1024x128xf32, #tpu.memory_space<vmem>>, vector<1024x128xf32>,
    %reduce_sum3A = arith.constant dense<0.000000e+00> : vector<128xf32>
    %reduce_sum3A_16 = vector.multi_reduction <add>, %add3A, %reduce_sum3A [0] : vector<1024x128xf32> to vector<128xf32>
    %broadcast_in_dim3A = vector.shape_cast %reduce_sum3A_16 : vector<128xf32> to vector<1x128xf32>
    %mul3A = arith.mulf %add3A, %add3A : vector<1024x128xf32>
    %reduce_sum3A_17 = arith.constant dense<0.000000e+00> : vector<128xf32>
    %reduce_sum3A_18 = vector.multi_reduction <add>, %mul3A, %reduce_sum3A_17 [0] : vector<1024x128xf32> to vector<128xf32>
    %broadcast_in_dim3A_19 = vector.shape_cast %reduce_sum3A_18 : vector<128xf32> to vector<1x128xf32>
    %eq3A = arith.constant 0 : i32
    %eq3A_20 = arith.cmpi eq, %arg0, %eq3A : i32
    %convert_element_type3A = arith.extui %eq3A_20 : i1 to i32
    %cond3A = arith.constant 0 : i32
    %cond3A_21 = arith.cmpi ne, %convert_element_type3A, %cond3A : i32
    scf.if %cond3A_21 {
      %broadcast_in_dim3A_31 = arith.constant 0.000000e+00 : f32
      %broadcast_in_dim3A_32 = vector.broadcast %broadcast_in_dim3A_31 : f32 to vector<8x128xf32>
      %swap3A_33 = arith.constant 0 : index
      %swap3A_34 = arith.constant 0 : index
      %swap3A_35 = vector.load %arg6[%swap3A_33, %swap3A_34] : memref<8x128xf32, #tpu.memory_space<vmem>>, vector<8x128xf32>
      tpu.vector_store %arg6[%swap3A_33, %swap3A_34], %broadcast_in_dim3A_32 {strides = array<i32>} : memref<8x128xf32, #tpu.memory_space<vmem>>, vector<8x128xf32>,
    } else {
    }
    %get3A_22 = arith.constant 0 : index
    %get3A_23 = arith.constant 0 : index
    %get3A_24 = vector.load %arg6[%get3A_22, %get3A_23] : memref<8x128xf32, #tpu.memory_space<vmem>>, vector<8x128xf32>
    %broadcast_in_dim3A_25 = arith.constant 0.000000e+00 : f32
    %broadcast_in_dim3A_26 = vector.broadcast %broadcast_in_dim3A_25 : f32 to vector<6x128xf32>
    %concatenate3A = tpu.concatenate %broadcast_in_dim3A, %broadcast_in_dim3A_19, %broadcast_in_dim3A_26 in 0 : vector<1x128xf32>, vector<1x128xf32>, vector<6x128xf32> -> vector<8x128xf32>
    %add3A_27 = arith.addf %get3A_24, %concatenate3A : vector<8x128xf32>
    %swap3A_28 = arith.constant 0 : index
    %swap3A_29 = arith.constant 0 : index
    %swap3A_30 = vector.load %arg6[%swap3A_28, %swap3A_29] : memref<8x128xf32, #tpu.memory_space<vmem>>, vector<8x128xf32>
    tpu.vector_store %arg6[%swap3A_28, %swap3A_29], %add3A_27 {strides = array<i32>} : memref<8x128xf32, #tpu.memory_space<vmem>>, vector<8x128xf32>,
    return
  }
  func.func @transform_0(%arg0: i32) -> (i32, i32) {
    %c0_i32 = arith.constant 0 : i32
    %c0_i32_0 = arith.constant 0 : i32
    return %arg0, %c0_i32 : i32, i32
  }
  func.func @transform_1(%arg0: i32) -> (i32, i32) {
    %c0_i32 = arith.constant 0 : i32
    %c0_i32_0 = arith.constant 0 : i32
    return %arg0, %c0_i32 : i32, i32
  }
  func.func @transform_2(%arg0: i32) -> (i32, i32) {
    %c0_i32 = arith.constant 0 : i32
    %c0_i32_0 = arith.constant 0 : i32
    %c0_i32_1 = arith.constant 0 : i32
    return %c0_i32, %c0_i32_0 : i32, i32
  }
  func.func @transform_3(%arg0: i32) -> (i32, i32) {
    %c0_i32 = arith.constant 0 : i32
    %c0_i32_0 = arith.constant 0 : i32
    %c0_i32_1 = arith.constant 0 : i32
    return %c0_i32, %c0_i32_0 : i32, i32
  }
  func.func @transform_4(%arg0: i32) -> (i32, i32) {
    %c0_i32 = arith.constant 0 : i32
    %c0_i32_0 = arith.constant 0 : i32
    return %arg0, %c0_i32 : i32, i32
  }
  func.func @transform_5(%arg0: i32) -> (i32, i32) {
    %c0_i32 = arith.constant 0 : i32
    %c0_i32_0 = arith.constant 0 : i32
    %c0_i32_1 = arith.constant 0 : i32
    return %c0_i32, %c0_i32_0 : i32, i32
  }
}

module attributes {stable_mosaic.version = 14 : i64} {
  func.func @_mlp2_body(%arg0: i32, %arg1: memref<1024x128xf32, #tpu.memory_space<vmem>>, %arg2: memref<8x128xf32, #tpu.memory_space<vmem>>, %arg3: memref<2x128xf32, #tpu.memory_space<vmem>>, %arg4: memref<1x128xf32, #tpu.memory_space<vmem>>, %arg5: memref<1x1xf32, #tpu.memory_space<vmem>>, %arg6: memref<1024x1xf32, #tpu.memory_space<vmem>>) attributes {dimension_semantics = [#tpu.dimension_semantics<arbitrary>], iteration_bounds = array<i64: 16>, scalar_prefetch = 0 : i64, scratch_operands = 0 : i64, tpu.core_type = #tpu.core_type<tc>, window_params = [{transform_indices = @transform_0, window_bounds = array<i64: 1024, 128>}, {pipeline_mode = #tpu.pipeline_mode<synchronous>, transform_indices = @transform_1, window_bounds = array<i64: 8, 128>}, {pipeline_mode = #tpu.pipeline_mode<synchronous>, transform_indices = @transform_2, window_bounds = array<i64: 2, 128>}, {pipeline_mode = #tpu.pipeline_mode<synchronous>, transform_indices = @transform_3, window_bounds = array<i64: 1, 128>}, {pipeline_mode = #tpu.pipeline_mode<synchronous>, transform_indices = @transform_4, window_bounds = array<i64: 1, 1>}, {transform_indices = @transform_5, window_bounds = array<i64: 1024, 1>}]} {
    %get3A = arith.constant 0 : index
    %get3A_0 = arith.constant 0 : index
    %get3A_1 = vector.load %arg2[%get3A, %get3A_0] : memref<8x128xf32, #tpu.memory_space<vmem>>, vector<8x128xf32>
    %slice3A = vector.extract_strided_slice %get3A_1 {offsets = [0, 0], sizes = [1, 128], strides = [1, 1]} : vector<8x128xf32> to vector<1x128xf32>
    %div3A = arith.constant 1.638400e+04 : f32
    %div3A_2 = vector.broadcast %div3A : f32 to vector<1x128xf32>
    %div3A_3 = arith.divf %slice3A, %div3A_2 : vector<1x128xf32>
    %slice3A_4 = vector.extract_strided_slice %get3A_1 {offsets = [1, 0], sizes = [1, 128], strides = [1, 1]} : vector<8x128xf32> to vector<1x128xf32>
    %div3A_5 = arith.constant 1.638400e+04 : f32
    %div3A_6 = vector.broadcast %div3A_5 : f32 to vector<1x128xf32>
    %div3A_7 = arith.divf %slice3A_4, %div3A_6 : vector<1x128xf32>
    %mul3A = arith.mulf %div3A_3, %div3A_3 : vector<1x128xf32>
    %sub3A = arith.subf %div3A_7, %mul3A : vector<1x128xf32>
    %get3A_8 = arith.constant 0 : index
    %get3A_9 = arith.constant 0 : index
    %get3A_10 = vector.load %arg3[%get3A_8, %get3A_9] : memref<2x128xf32, #tpu.memory_space<vmem>>, vector<1x128xf32>
    %add3A = arith.constant 9.99999974E-6 : f32
    %add3A_11 = vector.broadcast %add3A : f32 to vector<1x128xf32>
    %add3A_12 = arith.addf %sub3A, %add3A_11 : vector<1x128xf32>
    %rsqrt3A = math.rsqrt %add3A_12 : vector<1x128xf32>
    %mul3A_13 = arith.mulf %get3A_10, %rsqrt3A : vector<1x128xf32>
    %get3A_14 = arith.constant 1 : index
    %get3A_15 = arith.constant 0 : index
    %get3A_16 = vector.load %arg3[%get3A_14, %get3A_15] : memref<2x128xf32, #tpu.memory_space<vmem>>, vector<1x128xf32>
    %mul3A_17 = arith.mulf %div3A_3, %mul3A_13 : vector<1x128xf32>
    %sub3A_18 = arith.subf %get3A_16, %mul3A_17 : vector<1x128xf32>
    %get3A_19 = arith.constant 0 : index
    %get3A_20 = arith.constant 0 : index
    %get3A_21 = vector.load %arg1[%get3A_19, %get3A_20] : memref<1024x128xf32, #tpu.memory_space<vmem>>, vector<1024x128xf32>
    %mul3A_22 = vector.broadcast %mul3A_13 : vector<1x128xf32> to vector<1024x128xf32>
    %mul3A_23 = arith.mulf %get3A_21, %mul3A_22 : vector<1024x128xf32>
    %add3A_24 = vector.broadcast %sub3A_18 : vector<1x128xf32> to vector<1024x128xf32>
    %add3A_25 = arith.addf %mul3A_23, %add3A_24 : vector<1024x128xf32>
    %max3A = arith.constant 0.000000e+00 : f32
    %max3A_26 = vector.broadcast %max3A : f32 to vector<1024x128xf32>
    %max3A_27 = arith.maximumf %add3A_25, %max3A_26 : vector<1024x128xf32>
    %get3A_28 = arith.constant 0 : index
    %get3A_29 = arith.constant 0 : index
    %get3A_30 = vector.load %arg4[%get3A_28, %get3A_29] : memref<1x128xf32, #tpu.memory_space<vmem>>, vector<1x128xf32>
    %mul3A_31 = vector.broadcast %get3A_30 : vector<1x128xf32> to vector<1024x128xf32>
    %mul3A_32 = arith.mulf %max3A_27, %mul3A_31 : vector<1024x128xf32>
    %reduce_sum3A = arith.constant dense<0.000000e+00> : vector<1024xf32>
    %reduce_sum3A_33 = vector.multi_reduction <add>, %mul3A_32, %reduce_sum3A [1] : vector<1024x128xf32> to vector<1024xf32>
    %broadcast_in_dim3A = vector.shape_cast %reduce_sum3A_33 : vector<1024xf32> to vector<1024x1xf32>
    %get3A_34 = arith.constant 0 : index
    %get3A_35 = arith.constant 0 : index
    %get3A_36 = vector.load %arg5[%get3A_34, %get3A_35] : memref<1x1xf32, #tpu.memory_space<vmem>>, vector<1x1xf32>
    %add3A_37 = vector.broadcast %get3A_36 : vector<1x1xf32> to vector<1024x1xf32>
    %add3A_38 = arith.addf %broadcast_in_dim3A, %add3A_37 : vector<1024x1xf32>
    %logistic3A = arith.negf %add3A_38 : vector<1024x1xf32>
    %logistic3A_39 = math.exp %logistic3A : vector<1024x1xf32>
    %logistic3A_40 = arith.constant 1.000000e+00 : f32
    %logistic3A_41 = vector.broadcast %logistic3A_40 : f32 to vector<1024x1xf32>
    %logistic3A_42 = arith.addf %logistic3A_41, %logistic3A_39 : vector<1024x1xf32>
    %logistic3A_43 = arith.divf %logistic3A_41, %logistic3A_42 : vector<1024x1xf32>
    %swap3A = arith.constant 0 : index
    %swap3A_44 = arith.constant 0 : index
    %swap3A_45 = vector.load %arg6[%swap3A, %swap3A_44] : memref<1024x1xf32, #tpu.memory_space<vmem>>, vector<1024x1xf32>
    tpu.vector_store %arg6[%swap3A, %swap3A_44], %logistic3A_43 {strides = array<i32>} : memref<1024x1xf32, #tpu.memory_space<vmem>>, vector<1024x1xf32>,
    return
  }
  func.func @transform_0(%arg0: i32) -> (i32, i32) {
    %c0_i32 = arith.constant 0 : i32
    %c0_i32_0 = arith.constant 0 : i32
    return %arg0, %c0_i32 : i32, i32
  }
  func.func @transform_1(%arg0: i32) -> (i32, i32) {
    %c0_i32 = arith.constant 0 : i32
    %c0_i32_0 = arith.constant 0 : i32
    %c0_i32_1 = arith.constant 0 : i32
    return %c0_i32, %c0_i32_0 : i32, i32
  }
  func.func @transform_2(%arg0: i32) -> (i32, i32) {
    %c0_i32 = arith.constant 0 : i32
    %c0_i32_0 = arith.constant 0 : i32
    %c0_i32_1 = arith.constant 0 : i32
    return %c0_i32, %c0_i32_0 : i32, i32
  }
  func.func @transform_3(%arg0: i32) -> (i32, i32) {
    %c0_i32 = arith.constant 0 : i32
    %c0_i32_0 = arith.constant 0 : i32
    %c0_i32_1 = arith.constant 0 : i32
    return %c0_i32, %c0_i32_0 : i32, i32
  }
  func.func @transform_4(%arg0: i32) -> (i32, i32) {
    %c0_i32 = arith.constant 0 : i32
    %c0_i32_0 = arith.constant 0 : i32
    %c0_i32_1 = arith.constant 0 : i32
    return %c0_i32, %c0_i32_0 : i32, i32
  }
  func.func @transform_5(%arg0: i32) -> (i32, i32) {
    %c0_i32 = arith.constant 0 : i32
    %c0_i32_0 = arith.constant 0 : i32
    return %arg0, %c0_i32 : i32, i32
  }
}

</mosaic_0001>

<sc_bundles>
// kernel: kernel.5.cloned.1.call-start
scs
__scs_entry_jumppad:
0x0: {  	(pc) =	sbr.rel $0x88, $3  }
0x1: {  	(tag) =	ssettag $0x0;
	lr =	simm.s32 $0x1  }
0x2: {  	[smem:$0x3F9A] =	sst lr;
	_ =	strace $0xD0000000  }
0x3: {  	_ = 	snop  }
0x4: {  	_ = 	snop  }
0x5: {  	_ = 	snop  }
0x6: {  	_ = 	snop  }
0x7: {  	_ = 	snop  }
__scs_overlays_trampoline_lowered:
0x8: {  	[smem:$0x3FA9] =	sst s0  }
0x9: {  	[smem:$0x3FAA] =	sst s1  }
0xa: {  	[smem:$0x3FAB] =	sst s2  }
0xb: {  	[smem:$0x3FAC] =	sst s3  }
0xc: {  	[smem:$0x3FAD] =	sst s4  }
0xd: {  	[smem:$0x3FAE] =	sst s5  }
0xe: {  	[smem:$0x3FAF] =	sst s6  }
0xf: {  	[smem:$0x3FB0] =	sst s7  }
0x10: {  	[smem:$0x3FB1] =	sst s8  }
0x11: {  	[smem:$0x3FB2] =	sst s9;
	s0 =	simm.s32 @!p0 $0x0  }
0x12: {  	s1 =	sld [smem:$0x3F98];
	s0 =	simm.s32 @p0 $0x1  }
0x13: {  	[smem:$0x3FB3] =	sst s0;
	s0 =	simm.s32 @!p1 $0x0  }
0x14: {  	s2 =	sld [smem:$0x3F97];
	s0 =	simm.s32 @p1 $0x1  }
0x15: {  	[smem:$0x3FB4] =	sst s0;
	s0 =	simm.s32 @!p2 $0x0  }
0x16: {  	s3 =	sld [smem:$0x3FDB];
	s0 =	simm.s32 @p2 $0x1  }
0x17: {  	s4 =	simm.s32 $0x1BF5;
	[smem:$0x3FB6] =	sst s0  }
0x18: {  	s0 =	sld [smem:$0x3F99];
	_ =	swait.ge [sflag:s4], $0x0  }
0x19: {  	s7 =	sld [smem:$0x3F9A]  }
0x1a: {  	s8 =	sadd.s32 $0xFFFFE003, lr  }
0x1b: {  	s9 =	sadd.s32 $0xFFFFFEF7, lr;
	s5 =	simm.s32 $0xFFFFFFFF;
	p2 =	slt.u32 s8, $0xFFFFF086  }
0x1c: {  	p1 =	slt.u32 s9, $0xF7A;
	s5 =	simm.s32 @!p2 $0x0  }
0x1d: {  	s5 =	simm.s32 @p1 $0x1;
	p0 =	seq.s32 s7, s2  }
0x1e: {  	s7 =	smul.u32 @!p0 $0xF7A, s2;
	p2 =	seq.s32 @!p0 s5, $0x0  }
0x1f: {  	s9 =	smul.u32 $0xF7A, s1;
	s8 =	simm.s32 @!p0 $0x1BF5;
	p2 =	por !p2, p0  }
0x20: {  	[sflag:s8] =	ssyncset.s32 @!p0 $0xFFFFF086;
	s6 =	sadd.s32 @!p0 s3, s7;
	s7 =	simm.s32 @!p0 $0x108  }
0x21: {  	s3 =	sadd.s32 s3, s9;
	s6 =	sadd.s32 @!p0 $0x88, s6;
	s7 =	simm.s32 @p2 $0x1082  }
0x22: {  	[simem:s7], [sflag:s8] =	dma.local @!p0 [hbm:s6], $0xF7A  }
0x23: {  	s9 =	sor.u32 $0xD0000000, s2;
	s6 =	simm.s32 $0x108;
	_ =	swait.ge @!p0 [sflag:s8], $0x0  }
0x24: {  	s3 =	sadd.s32 $0x88, s3;
	s6 =	simm.s32 @!p1 $0x1082;
	[sflag:s4] =	ssyncset.s32 $0xFFFFF086  }
0x25: {  	[simem:s6], [sflag:s4] =	dma.local [hbm:s3], $0xF7A  }
0x26: {  	[smem:$0x3F9A] =	sst s1;
	(tag) =	ssettag s2;
	_ =	strace s9  }
0x27: {  	s1 =	sld [smem:$0x3FAA]  }
0x28: {  	s2 =	sld [smem:$0x3FAB]  }
0x29: {  	s4 =	sld [smem:$0x3FAD]  }
0x2a: {  	p0 =	seq.s32 s5, $0x0;
	s5 =	sld [smem:$0x3FAE]  }
0x2b: {  	s6 =	sld [smem:$0x3FAF]  }
0x2c: {  	s7 =	sld [smem:$0x3FB0]  }
0x2d: {  	s3 =	simm.s32 $0x108;
	s8 =	sld [smem:$0x3FB1]  }
0x2e: {  	s3 =	simm.s32 @!p0 $0x1082;
	s9 =	sld [smem:$0x3FB2]  }
0x2f: {  	lr =	sadd.s32 s0, s3;
	s0 =	sld [smem:$0x3FA9]  }
0x30: {  	s3 =	sld [smem:$0x3FAC]  }
0x31: {  	[smem:$0x3FB5] =	sst s10  }
0x32: {  	s10 =	sld [smem:$0x3FB3];
	_ =	sdelay $0x3  }
0x33: {  	p0 =	seq.s32 s10, $0x1;
	s10 =	sld [smem:$0x3FB5];
	_ =	sdelay $0x3  }
0x34: {  	[smem:$0x3FB5] =	sst s10  }
0x35: {  	s10 =	sld [smem:$0x3FB4];
	_ =	sdelay $0x3  }
0x36: {  	p1 =	seq.s32 s10, $0x1;
	s10 =	sld [smem:$0x3FB5];
	_ =	sdelay $0x3  }
0x37: {  	[smem:$0x3FB5] =	sst s10  }
0x38: {  	s10 =	sld [smem:$0x3FB6]  }
0x39: {  	_ = 	snop;
	(pc) =	sbr.ind lr, $3  }
0x3a: {  	_ = 	snop  }
0x3b: {  	_ = 	snop  }
0x3c: {  	p2 =	seq.s32 s10, $0x1;
	s10 =	sld [smem:$0x3FB5]  }
0x3d: {  	_ =	shalt  }
0x3e: {  	_ =	shalt  }
0x3f: {  	_ =	shalt  }
0x40: {  	_ =	shalt  }
0x41: {  	_ =	shalt  }
0x42: {  	_ =	shalt  }
0x43: {  	_ =	shalt  }
0x44: {  	_ =	shalt  }
0x45: {  	_ =	shalt  }
0x46: {  	_ =	shalt  }
0x47: {  	_ =	shalt  }
0x48: {  	_ =	shalt  }
0x49: {  	_ =	shalt  }
0x4a: {  	_ =	shalt  }
0x4b: {  	_ =	shalt  }
0x4c: {  	_ =	shalt  }
0x4d: {  	_ =	shalt  }
0x4e: {  	_ =	shalt  }
0x4f: {  	_ =	shalt  }
0x50: {  	_ =	shalt  }
0x51: {  	_ =	shalt  }
0x52: {  	_ =	shalt  }
0x53: {  	_ =	shalt  }
0x54: {  	_ =	shalt  }
0x55: {  	_ =	shalt  }
0x56: {  	_ =	shalt  }
0x57: {  	_ =	shalt  }
0x58: {  	_ =	shalt  }
0x59: {  	_ =	shalt  }
0x5a: {  	_ =	shalt  }
0x5b: {  	_ =	shalt  }
0x5c: {  	_ =	shalt  }
0x5d: {  	_ =	shalt  }
0x5e: {  	_ =	shalt  }
0x5f: {  	_ =	shalt  }
0x60: {  	_ =	shalt  }
0x61: {  	_ =	shalt  }
0x62: {  	_ =	shalt  }
0x63: {  	_ =	shalt  }
0x64: {  	_ =	shalt  }
0x65: {  	_ =	shalt  }
0x66: {  	_ =	shalt  }
0x67: {  	_ =	shalt  }
0x68: {  	_ =	shalt  }
0x69: {  	_ =	shalt  }
0x6a: {  	_ =	shalt  }
0x6b: {  	_ =	shalt  }
0x6c: {  	_ =	shalt  }
0x6d: {  	_ =	shalt  }
0x6e: {  	_ =	shalt  }
0x6f: {  	_ =	shalt  }
0x70: {  	_ =	shalt  }
0x71: {  	_ =	shalt  }
0x72: {  	_ =	shalt  }
0x73: {  	_ =	shalt  }
0x74: {  	_ =	shalt  }
0x75: {  	_ =	shalt  }
0x76: {  	_ =	shalt  }
0x77: {  	_ =	shalt  }
0x78: {  	_ =	shalt  }
0x79: {  	_ =	shalt  }
0x7a: {  	_ =	shalt  }
0x7b: {  	_ =	shalt  }
0x7c: {  	_ =	shalt  }
0x7d: {  	_ =	shalt  }
0x7e: {  	_ =	shalt  }
0x7f: {  	_ =	shalt  }
0x80: {  	_ =	shalt  }
0x81: {  	_ =	shalt  }
0x82: {  	_ =	shalt  }
0x83: {  	_ =	shalt  }
0x84: {  	_ =	shalt  }
0x85: {  	_ =	shalt  }
0x86: {  	_ =	shalt  }
0x87: {  	_ =	shalt  }
.Lfunc_end0:
.L_simem_size_0:
called_computation_lowered:
.L_overlay_start_0:
0x88: {  	s2 =	sld [smem:$0x3FD9]  }
0x89: {  	s3 =	sld [smem:$0x3FFE];
	_ =	sdelay $0x1  }
0x8a: {  	s1 =	srdreg.scid  }
0x8b: {  	s0 =	sand.u32 $0x1, s1  }
0x8c: {  	s16 =	sshll.u32 s0, $0xA;
	s2 =	sadd.s32 s3, s2  }
0x8d: {  	s2 =	sadd.s32 s2, s16  }
0x8e: {  	[smem:$0x3FC1] =	sst s2  }
0x8f: {  	_ = 	snop  }
0x90: {  	(tm) =	ssettm $0x1  }
0x91: {  	s17 =	sld [smem:$0x3FFB];
	_ =	sdelay $0x3  }
0x92: {  	_ =	strace s17  }
0x93: {  	s2 =	sld [smem:$0x3FFC];
	_ =	sdelay $0x3  }
0x94: {  	_ =	strace s2  }
0x95: {  	s2 =	sld [smem:$0x3FFD];
	_ =	sdelay $0x3  }
0x96: {  	_ =	strace s2  }
0x97: {  	_ =	strace $0x8FFFFFFF  }
0x98: {  	s18 =	sld [smem:$0x3FDB];
	_ =	sdelay $0x1  }
0x99: {  	s19 =	simm.s32 $_scs_section_size  }
0x9a: {  	s4 =	simm.s32 $_size__tile_overlayer_lowered;
	s5 =	simm.s32 $_tile_overlayer_lowered  }
0x9b: {  	s22 =	simm.s32 $0x1BFF;
	s21 =	sshll.u32 s5, $0x1;
	s2 =	sadd.s32 s19, s18  }
0x9c: {  	s6 =	simm.s32 $0x0;
	s20 =	sshll.u32 s4, $0x1;
	s4 =	sadd.s32 s21, s2  }
0x9d: {  	[timem:s6], [sflag:s22] =	dma.local [hbm:s4], s20  }
0x9e: {  	_ =	swait.ge [sflag:s22], s20  }
0x9f: {  	s3 =	ssub.s32 $0x0, s20;
	[sflag:s22] =	ssyncset.done $0x0  }
0xa0: {  	[sflag:s22] =	ssyncadd.s32 s3;
	_ =	sdelay $0x1  }
0xa1: {  	s23 =	simm.s32 $0x1B8B  }
0xa2: {  	_ =	swait.ge [sflag:s23], $0x1  }
0xa3: {  	[sflag:s23] =	ssyncset.done $0x0  }
0xa4: {  	s25 =	simm.s32 $0x1B8E;
	s24 =	sld [smem:$0x3FFE];
	[sflag:s23] =	ssyncadd.s32 $0xFFFFFFFF  }
0xa5: {  	s26 =	simm.s32 $execute0_lowered;
	[smem:$0x3FD2] =	sst s25  }
0xa6: {  	s4 =	sshll.u32 s26, $0x1;
	_ =	strace $0x80000046;
	[dreg:$0x1] =	wrdreg $0xFFFFFFFF  }
0xa7: {  	s28 =	simm.s32 $_size_execute0_lowered;
	s2 =	sadd.s32 s2, s4;
	[dreg:$0x0] =	wrdreg $0x0  }
0xa8: {  	s4 =	sshll.u32 s28, $0x1;
	[dreg:$0x2] =	wrdreg s2  }
0xa9: {  	[dreg:$0x3] =	wrdreg s4  }
0xaa: {  	[dreg:$0x4] =	wrdreg $0xC0  }
0xab: {  	_ =	task [dreg:s6], $0x5FFFF  }
0xac: {  	[dreg:$0x1] =	wrdreg $0xFFFFFFFF  }
0xad: {  	[dreg:$0x0] =	wrdreg $0x60  }
0xae: {  	[dreg:$0x2] =	wrdreg s24  }
0xaf: {  	[dreg:$0x3] =	wrdreg $0x9  }
0xb0: {  	_ =	task.clear_ibuf [dreg:s6], $0x4FFFF;
	_ =	strace $0x90000046  }
0xb1: {  	s29 =	simm.s32 $0x9;
	_ =	strace $0x80000048  }
0xb2: {  	_ =	swait.ge [sflag:s29], $0x1  }
0xb3: {  	[sflag:s29] =	ssyncadd.s32 $0xFFFFFFFF  }
0xb4: {  	_ =	strace $0x90000048  }
0xb5: {  	_ =	sfence  }
0xb6: {  	s30 =	sld [smem:$0x0];
	_ =	sdelay $0x2  }
0xb7: {  	s31 =	sshll.u32 s1, $0xD;
	s1 =	sshrl.u32 s1, $0x2  }
0xb8: {  	s3 =	sand.u32 $0x4000, s31;
	s1 =	sadd.s32 s1, s30  }
0xb9: {  	s0 =	sor.u32 s3, s0;
	s1 =	sshll.u32 s1, $0x11  }
0xba: {  	s0 =	sor.u32 s1, s0  }
0xbb: {  	s0 =	sadd.s32 $0x8F2B, s0  }
0xbc: {  	[sflag:s0] =	ssyncadd.remote.s32 $0x1  }
0xbd: {  	_ =	sfence.sel $0xFFFF  }
0xbe: {  	[dreg:$0x0] =	wrdreg $0xFFFFFFFF;
	(pc) =	sbr.abs _section_cstart, $3  }
0xbf: {  	[dreg:$0x1] =	wrdreg $0xFFFFFFFF  }
0xc0: {  	_ =	task.clear_ibuf [dreg:s6], $0x2FFFF;
	_ =	strace $0x9FFFFFFF  }
0xc1: {  	(tm) =	ssettm $0x7FFFFFFF  }
tec
execute0_lowered:
.L_overlay_start_1:
0x0: {  	(tag) =	ssettag $0x1  }
0x1: {  	s0 =	rddreg [dreg:$0x0];
	s1 =	simm.s32 $0x0;
	s2 =	srdreg.scid  }
0x2: {  	s6 =	stileid.u32;
	s11 =	simm.s32 $0x5;
	s12 =	simm.s32 $0x80  }
0x3: {  	s14 =	simm.s32 $0x13400;
	s16 =	simm.s32 $0x14400;
	s18 =	simm.s32 $0x15400  }
0x4: {  	s20 =	simm.s32 $0x16400;
	s21 =	simm.s32 $0x1;
	s22 =	simm.s32 $0x20  }
0x5: {  	s23 =	simm.s32 $0x340;
	s24 =	simm.s32 $0x2;
	s28 =	simm.s32 $0x0  }
0x6: {  	[smem:$0x7FF] =	sst s1;
	s3 =	sadd.s32 $0x27ADC00, s0;
	s2 =	sand.u32 $0x1, s2  }
0x7: {  	s4 =	sshll.u32 s6, $0xE;
	s6 =	smul.u32 $0xD0000, s6;
	s7 =	sadd.s32 $0x41800, s0  }
0x8: {  	s13 =	sadd.s32 $0x280F680, s0;
	s5 =	sshll.u32 s2, $0xD;
	s25 =	ssub.s32 $0x2, s2  }
0x9: {  	s2 =	smul.u32 $0x68000, s2;
	s4 =	sor.u32 s5, s4;
	s8 =	sshrl.u32 s25, $0x1  }
0xa: {  	_ =	strace $0x80000047;
	s4 =	sadd.s32 s4, s0;
	s5 =	ssub.s32 s25, s8  }
0xb: {  	s6 =	sadd.s32 s2, s6;
	s25 =	simm.s32 $0x3;
	s4 =	sadd.s32 $0x1800, s4  }
.Ltmp0:
0xc: {  	s5 =	smax.u32 s5, $0x1;
	s26 =	sadd.s32 $0x4E000, s6;
	(pc) =	sbr.rel .LBB2_1-.Ltmp0, $4  }
0xd: {  	s29 =	sadd.s32 $0x34000, s6;
	s9 =	sadd.s32 $0x1A000, s6;
	s31 =	sshrl.u32 s6, $0x3  }
0xe: {  	[dreg:$0x2] =	wrdreg s4;
	s0 =	sshrl.u32 s26, $0x3;
	s30 =	sshrl.u32 s29, $0x3  }
0xf: {  	v0 =	vlaneseq.u32;
	s9 =	sshrl.u32 s9, $0x3;
	s10 =	sadd.s32 s31, s7;
	s26 =	simm.s32 $0x4  }
0x10: {  	v0 =	vmul.u32 $0x80, v0;
	s2 =	sadd.s32 s0, s7;
	s8 =	sadd.s32 s30, s7;
	s9 =	sadd.s32 s9, s7  }
.LBB2_6:
0x11: {  	s28 =	sadd.s32 $0x1, s28  }
0x12: {  	p0 =	sne.s32 s28, s5  }
.Ltmp1:
0x13: {  	_ = 	snop;
	(pc) =	sbr.rel @!p0 .LBB2_7-.Ltmp1, $1  }
0x14: {  	_ =	sdelay $0x3  }
.LBB2_1:
0x15: {  	s0 =	simm.s32 $0x0  }
0x16: {  	s6 =	sand.u32 $0x1F0, s1;
	v1 =	vmov s0  }
0x17: {  	v2 =	vmov s6;
	v1 =	vand.u32 $0x1F, v1  }
0x18: {  	v2 =	vshll.u32 v2, $0x7;
	v1 =	vbroadcast v1, $0x0  }
0x19: {  	v2 =	vor.u32 v0, v2  }
0x1a: {  	s7 =	rddreg [dreg:$0x2];
	s29 =	simm.s32 $0x10;
	s15 =	simm.s32 $0x0;
	v1 =	vor.u32 v1, v2  }
0x1b: {  	[tilespmem:s1], [sflag:$0x5] =	stream.linear.gather [hbm4b:s7+s1], $0x10000, $0x38;
	[tilespmem:$0x17400] =	vst v63  }
0x1c: {  	s17 =	sand.u32 $0x1F0, s29;
	_ =	swait.ge [sflag:s11], $0x10000;
	v2 =	vmov s15  }
0x1d: {  	v3 =	vmov s17;
	[sflag:s11] =	ssyncset.done $0x0;
	v2 =	vand.u32 $0x1F, v2  }
0x1e: {  	v3 =	vshll.u32 v3, $0x7;
	[sflag:s11] =	ssyncadd.s32 $0xFFFF0000;
	v4 =	vbroadcast v2, $0x0  }
0x1f: {  	s31 =	simm.s32 $0x2;
	v3 =	vor.u32 v0, v3;
	v2 =	vld.idx.msk [tilespmem:v1+s1+$0x0], $0xffff  }
0x20: {  	s30 =	simm.s32 $0x20;
	s19 =	simm.s32 $0x0;
	s0 =	simm.s32 $0x1;
	v1 =	vor.u32 v4, v3  }
0x21: {  	s7 =	simm.s32 $0x0;
	s19 =	sand.u32 $0x3FFFFE00, s19;
	s17 =	sand.u32 $0x180, s1  }
0x22: {  	s6 =	simm.s32 $0x3;
	s17 =	sor.u32 s17, s19;
	s15 =	sand.u32 $0x70, s1  }
.LBB2_2:
0x23: {  	p0 =	sne.s32 s6, $0x33F;
	s19 =	sand.u32 $0x1F0, s30;
	v3 =	vmov s7;
	s7 =	sor.u32 s15, s17  }
0x24: {  	s15 =	smov.u32 s29;
	s29 =	smov.u32 s30;
	v4 =	vmov s19;
	v3 =	vand.u32 $0x1F, v3;
	[tilespmem:s7+$0x10000] =	vst v2;
	s7 =	smov.u32 s31  }
.Ltmp2:
0x25: {  	s31 =	smov.u32 s6;
	v4 =	vshll.u32 v4, $0x7;
	v3 =	vbroadcast v3, $0x0;
	v2 =	vld.idx.msk [tilespmem:v1+s1+$0x0], $0xffff;
	(pc) =	sbr.rel @p0 .LBB2_2-.Ltmp2, $4  }
0x26: {  	v1 =	vor.u32 v0, v4  }
0x27: {  	s30 =	sadd.s32 $0x10, s30;
	s17 =	sshll.u32 s0, $0x4;
	s0 =	smov.u32 s7;
	v1 =	vor.u32 v3, v1  }
0x28: {  	s19 =	sand.u32 $0x180, s15;
	s17 =	sand.u32 $0x3FFFFE00, s17;
	s7 =	sshrl.u32 s6, $0x5  }
0x29: {  	s15 =	sand.u32 $0x70, s15;
	s6 =	sadd.s32 $0x1, s6;
	s17 =	sor.u32 s19, s17  }
0x2a: {  	_ = 	snop  }
0x2b: {  	s6 =	sand.u32 $0x1F0, s30;
	v3 =	vmov s7  }
0x2c: {  	s4 =	sor.u32 s15, s17;
	v4 =	vmov s6;
	v3 =	vand.u32 $0x1F, v3  }
0x2d: {  	[tilespmem:s4+$0x10000] =	vst v2;
	v2 =	vshll.u32 v4, $0x7;
	v3 =	vbroadcast v3, $0x0  }
0x2e: {  	v1 =	vld.idx.msk [tilespmem:v1+s1+$0x0], $0xffff;
	v2 =	vor.u32 v0, v2  }
0x2f: {  	s0 =	sshll.u32 s0, $0x4;
	v2 =	vor.u32 v3, v2  }
0x30: {  	s7 =	sand.u32 $0x180, s29;
	s0 =	sand.u32 $0x3FFFFE00, s0  }
0x31: {  	s15 =	sand.u32 $0x70, s29;
	s0 =	sor.u32 s7, s0  }
0x32: {  	s0 =	sor.u32 s15, s0  }
0x33: {  	[tilespmem:s0+$0x10000] =	vst v1  }
0x34: {  	v1 =	vld.idx.msk [tilespmem:v2+s1+$0x0], $0xffff  }
0x35: {  	s17 =	sshll.u32 s31, $0x4  }
0x36: {  	s19 =	sand.u32 $0x180, s30;
	s0 =	sand.u32 $0x3FFFFE00, s17  }
0x37: {  	s4 =	sand.u32 $0x70, s30;
	s0 =	sor.u32 s19, s0  }
0x38: {  	s0 =	sor.u32 s4, s0  }
0x39: {  	s7 =	simm.s32 $0x10000;
	[tilespmem:s0+$0x10000] =	vst v1  }
0x3a: {  	[tilespmem:s14], [sflag:$0x1] =	stream.indirect.gather [hbm4b:s3+s12], $0x20, s7, s12, $0xb8;
	[tilespmem:$0x17400] =	vst v63  }
0x3b: {  	s29 =	smov.u32 s10;
	s31 =	smov.u32 s8;
	s15 =	simm.s32 $0x10080  }
0x3c: {  	[tilespmem:s16], [sflag:$0x2] =	stream.indirect.gather [hbm4b:s3+s12], $0x20, s15, s12, $0xb8;
	[tilespmem:$0x17400] =	vst v63  }
0x3d: {  	s30 =	smov.u32 s9;
	s6 =	smov.u32 s13;
	s17 =	simm.s32 $0x10100  }
0x3e: {  	[tilespmem:s18], [sflag:$0x3] =	stream.indirect.gather [hbm4b:s3+s12], $0x20, s17, s12, $0xb8;
	[tilespmem:$0x17400] =	vst v63  }
0x3f: {  	s19 =	simm.s32 $0x10180;
	s0 =	simm.s32 $0x0;
	s7 =	smov.u32 s2  }
0x40: {  	[tilespmem:s20], [sflag:$0x4] =	stream.indirect.gather [hbm4b:s3+s12], $0x20, s19, s12, $0xb8;
	[tilespmem:$0x17400] =	vst v63  }
.LBB2_4:
0x41: {  	_ =	swait.ge [sflag:s21], $0x1000  }
0x42: {  	[sflag:s21] =	ssyncset.done $0x0  }
0x43: {  	[sflag:s21] =	ssyncadd.s32 $0xFFFFF000  }
0x44: {  	[hbm4b:s29+s22] =	stream.strided.scatter [tilespmem:s14], [sflag:$0x5], $0x1000, s23, s22, $0x38;
	[tilespmem:$0x17400] =	vst v63  }
0x45: {  	p0 =	seq.s32 s0, $0xC800;
	_ =	swait.ge [sflag:s11], $0x1000  }
0x46: {  	s15 =	sshra.s32 @!p0 s0, $0x2;
	s19 =	simm.s32 @!p0 $0x80;
	[sflag:s11] =	ssyncset.done $0x0  }
0x47: {  	s4 =	simm.s32 @!p0 $0x13400;
	s17 =	sadd.s32 @!p0 $0x10200, s15;
	[sflag:s11] =	ssyncadd.s32 $0xFFFFF000  }
0x48: {  	[tilespmem:s4], [sflag:$0x1] =	stream.indirect.gather @!p0 [hbm4b:s6+s19], $0x20, s17, s19, $0xb8;
	[tilespmem:$0x17400] =	vst v63  }
0x49: {  	_ =	swait.ge [sflag:s24], $0x1000  }
0x4a: {  	[sflag:s24] =	ssyncset.done $0x0  }
0x4b: {  	[sflag:s24] =	ssyncadd.s32 $0xFFFFF000  }
0x4c: {  	[hbm4b:s30+s22] =	stream.strided.scatter [tilespmem:s16], [sflag:$0x5], $0x1000, s23, s22, $0x38;
	[tilespmem:$0x17400] =	vst v63  }
0x4d: {  	_ =	swait.ge [sflag:s11], $0x1000  }
0x4e: {  	[sflag:s11] =	ssyncset.done $0x0  }
0x4f: {  	s4 =	sadd.s32 @!p0 $0x10280, s15;
	s17 =	simm.s32 @!p0 $0x14400;
	[sflag:s11] =	ssyncadd.s32 $0xFFFFF000  }
0x50: {  	[tilespmem:s17], [sflag:$0x2] =	stream.indirect.gather @!p0 [hbm4b:s6+s19], $0x20, s4, s19, $0xb8;
	[tilespmem:$0x17400] =	vst v63  }
0x51: {  	_ =	swait.ge [sflag:s25], $0x1000  }
0x52: {  	[sflag:s25] =	ssyncset.done $0x0  }
0x53: {  	[sflag:s25] =	ssyncadd.s32 $0xFFFFF000  }
0x54: {  	[hbm4b:s31+s22] =	stream.strided.scatter [tilespmem:s18], [sflag:$0x5], $0x1000, s23, s22, $0x38;
	[tilespmem:$0x17400] =	vst v63  }
0x55: {  	_ =	swait.ge [sflag:s11], $0x1000  }
0x56: {  	[sflag:s11] =	ssyncset.done $0x0  }
0x57: {  	s4 =	sadd.s32 @!p0 $0x10300, s15;
	s15 =	simm.s32 @!p0 $0x15400;
	[sflag:s11] =	ssyncadd.s32 $0xFFFFF000  }
0x58: {  	[tilespmem:s15], [sflag:$0x3] =	stream.indirect.gather @!p0 [hbm4b:s6+s19], $0x20, s4, s19, $0xb8;
	[tilespmem:$0x17400] =	vst v63  }
0x59: {  	_ =	swait.ge [sflag:s26], $0x1000  }
0x5a: {  	[sflag:s26] =	ssyncset.done $0x0  }
.Ltmp3:
0x5b: {  	[sflag:s26] =	ssyncadd.s32 $0xFFFFF000;
	(pc) =	sbr.rel @p0 .LBB2_6-.Ltmp3, $4  }
0x5c: {  	[hbm4b:s7+s22] =	stream.strided.scatter [tilespmem:s20], [sflag:$0x5], $0x1000, s23, s22, $0x38;
	[tilespmem:$0x17400] =	vst v63  }
0x5d: {  	_ =	swait.ge [sflag:s11], $0x1000  }
0x5e: {  	[sflag:s11] =	ssyncset.done $0x0  }
0x5f: {  	[sflag:s11] =	ssyncadd.s32 $0xFFFFF000  }
.Ltmp4:
0x60: {  	(pc) =	sbr.rel .LBB2_4-.Ltmp4, $4  }
0x61: {  	s4 =	sshra.s32 s0, $0x2;
	s0 =	sadd.s32 $0x800, s0  }
0x62: {  	s7 =	sadd.s32 $0x4, s7;
	s31 =	sadd.s32 $0x4, s31;
	s4 =	sadd.s32 $0x10380, s4  }
0x63: {  	[tilespmem:s20], [sflag:$0x4] =	stream.indirect.gather [hbm4b:s6+s12], $0x20, s4, s12, $0xb8;
	[tilespmem:$0x17400] =	vst v63  }
0x64: {  	s30 =	sadd.s32 $0x4, s30;
	s29 =	sadd.s32 $0x4, s29;
	s6 =	sadd.s32 $0x61A80, s6  }
.LBB2_7:
0x65: {  	_ =	sfence.sel $0x180000  }
0x66: {  	[bflag:$0x0] =	sbarrier.arrive $0xFFFF  }
0x67: {  	_ =	strace $0x90000047  }
0x68: {  	s0 =	stileid.u32;
	[bflag:$0x2] =	sbarrier.arrive $0xFFFF  }
0x69: {  	p0 =	sne.s32 s0, $0x0;
	s0 =	rddreg [dreg:$0x1]  }
0x6a: {  	s0 =	sadd.s32 @!p0 $0x100000, s0  }
0x6b: {  	[sflag:s0] =	ssyncadd.tile.s32 @!p0 $0x1;
	_ =	shalt  }
.Lfunc_end2:
_tile_overlayer_lowered:
.L_overlay_start_2:
0x6c: {  	(tag) =	ssettag $0x2  }
0x6d: {  	s0 =	rddreg [dreg:$0x0];
	s2 =	stileid.u32  }
0x6e: {  	s1 =	rddreg [dreg:$0x1];
	p0 =	sne.s32 s2, $0x0  }
0x6f: {  	s3 =	rddreg [dreg:$0x2];
	[bflag:$0x3] =	sbarrier.arrive $0xFFFF;
	s2 =	simm.s32 @!p0 $0x1C05  }
0x70: {  	[timem:s3], [sflag:s2] =	dma.local @!p0 [hbm:s0], s1  }
0x71: {  	s0 =	simm.s32 @!p0 $0x5  }
0x72: {  	_ =	swait.ge @!p0 [sflag:s0], s1  }
0x73: {  	s1 =	ssub.s32 @!p0 $0x0, s1;
	[sflag:s0] =	ssyncset.done @!p0 $0x0  }
0x74: {  	[sflag:s0] =	ssyncadd.s32 @!p0 s1  }
0x75: {  	[bflag:$0x3] =	sbarrier.arrive $0xFFFF  }
0x76: {  	_ =	shalt  }

</sc_bundles>
